<compile_context>
chip_gen: v7x
topology: tpu7x:2x2x1
jax: 0.10.2.dev20260603
libtpu: 0.0.44.dev20260713+nightly
codegen_flags: <defaults>
</compile_context>

<pallas_src>
import functools

import jax
import jax.numpy as jnp
from jax import lax
from jax.experimental import pallas as pl
from jax.experimental.pallas import tpu as pltpu
from jax.experimental.pallas import tpu_sc as plsc

N = 10000
E = 320000
D = 128
NC = 2
NS = 16
NW = NC * NS
EPW = E // NW
CH = 80
NCHUNK = EPW // CH
CHA = 128
NFULL = EPW // CHA
TAIL = EPW - NFULL * CHA
NP = 10240
RPT = NP // NS

def _lrelu(x):
    return jnp.where(x >= 0, x, 0.01 * x)


@functools.cache
def _sc_kernels():
    mesh = plsc.VectorSubcoreMesh(
        core_axis_name="c", subcore_axis_name="s",
        num_cores=NC, num_subcores=NS)

    @functools.partial(
        pl.kernel,
        out_type=jax.ShapeDtypeStruct((NC, NP), jnp.float32),
        mesh=mesh,
        scratch_types=[
            pltpu.VMEM((NCHUNK, CH), jnp.int32),
            pltpu.VMEM((CH,), jnp.float32),
            pltpu.VMEM_SHARED((NP,), jnp.float32),
            pltpu.SemaphoreType.DMA,
        ],
    )
    def deg_kernel(dst_hbm, ones_hbm, zhist_hbm, out_hbm,
                   dbuf_v, ones_v, hist_sh, sem):
        c = lax.axis_index("c")
        s = lax.axis_index("s")
        wid = c * NS + s
        pltpu.sync_copy(zhist_hbm, hist_sh.at[pl.ds(s * RPT, RPT)])
        pltpu.sync_copy(ones_hbm, ones_v)
        pltpu.sync_copy(dst_hbm.at[wid], dbuf_v)
        plsc.subcore_barrier()

        LAG = 8

        def body(i, carry):
            pltpu.async_copy(ones_v, hist_sh.at[dbuf_v.at[i]], sem, add=True)

            @pl.when(i >= LAG)
            def _():
                pltpu.make_async_copy(
                    ones_v, hist_sh.at[dbuf_v.at[i - LAG]], sem).wait()
            return carry

        lax.fori_loop(0, NCHUNK, body, 0)

        def drain(i, carry):
            pltpu.make_async_copy(
                ones_v, hist_sh.at[dbuf_v.at[NCHUNK - LAG + i]], sem).wait()
            return carry

        lax.fori_loop(0, LAG, drain, 0)
        plsc.subcore_barrier()
        pltpu.sync_copy(hist_sh.at[pl.ds(s * RPT, RPT)],
                        out_hbm.at[c].at[pl.ds(s * RPT, RPT)])

    @functools.partial(
        pl.kernel,
        out_type=jax.ShapeDtypeStruct((NC, NP, D), jnp.float32),
        mesh=mesh,
        scratch_types=[
            pltpu.VMEM((CHA,), jnp.int32),
            pltpu.VMEM((CHA,), jnp.int32),
            pltpu.VMEM((CHA,), jnp.int32),
            pltpu.VMEM((CHA,), jnp.int32),
            pltpu.VMEM((TAIL,), jnp.int32),
            pltpu.VMEM((TAIL,), jnp.int32),
            pltpu.VMEM((CHA, D), jnp.float32),
            pltpu.VMEM((CHA, D), jnp.float32),
            pltpu.VMEM((TAIL, D), jnp.float32),
            pltpu.VMEM_SHARED((NP, D), jnp.float32),
            pltpu.SemaphoreType.DMA,
            pltpu.SemaphoreType.DMA,
            pltpu.SemaphoreType.DMA,
            pltpu.SemaphoreType.DMA,
            pltpu.SemaphoreType.DMA,
            pltpu.SemaphoreType.DMA,
        ],
    )
    def agg_kernel(y_hbm, src_hbm, dst_hbm, zrows_hbm, out_hbm,
                   sidx_a, didx_a, sidx_b, didx_b, sidx_t, didx_t,
                   rows_a, rows_b, rows_t, acc_sh,
                   sem_ga, sem_gb, sem_ia, sem_ib, sem_sa, sem_sb):
        c = lax.axis_index("c")
        s = lax.axis_index("s")
        wid = c * NS + s
        ebase = wid * EPW
        pltpu.sync_copy(zrows_hbm, acc_sh.at[pl.ds(s * RPT, RPT)])

        pltpu.sync_copy(src_hbm.at[pl.ds(ebase, CHA)], sidx_a)
        pltpu.sync_copy(dst_hbm.at[pl.ds(ebase, CHA)], didx_a)
        pltpu.sync_copy(src_hbm.at[pl.ds(ebase + CHA, CHA)], sidx_b)
        pltpu.sync_copy(dst_hbm.at[pl.ds(ebase + CHA, CHA)], didx_b)
        plsc.subcore_barrier()
        pltpu.async_copy(y_hbm.at[sidx_a], rows_a, sem_ga)
        pltpu.async_copy(y_hbm.at[sidx_b], rows_b, sem_gb)

        def body(i, carry):
            j = 2 * i
            pltpu.make_async_copy(y_hbm.at[sidx_a], rows_a, sem_ga).wait()
            pltpu.async_copy(rows_a, acc_sh.at[didx_a], sem_sa, add=True)
            pltpu.make_async_copy(y_hbm.at[sidx_b], rows_b, sem_gb).wait()
            pltpu.async_copy(rows_b, acc_sh.at[didx_b], sem_sb, add=True)

            pltpu.make_async_copy(rows_a, acc_sh.at[didx_a], sem_sa).wait()
            pltpu.async_copy(src_hbm.at[pl.ds(ebase + (j + 2) * CHA, CHA)],
                             sidx_a, sem_ia)
            pltpu.async_copy(dst_hbm.at[pl.ds(ebase + (j + 2) * CHA, CHA)],
                             didx_a, sem_ia)
            pltpu.make_async_copy(src_hbm.at[pl.ds(ebase, CHA)], sidx_a,
                                  sem_ia).wait()
            pltpu.make_async_copy(dst_hbm.at[pl.ds(ebase, CHA)], didx_a,
                                  sem_ia).wait()
            pltpu.async_copy(y_hbm.at[sidx_a], rows_a, sem_ga)

            pltpu.make_async_copy(rows_b, acc_sh.at[didx_b], sem_sb).wait()
            pltpu.async_copy(src_hbm.at[pl.ds(ebase + (j + 3) * CHA, CHA)],
                             sidx_b, sem_ib)
            pltpu.async_copy(dst_hbm.at[pl.ds(ebase + (j + 3) * CHA, CHA)],
                             didx_b, sem_ib)
            pltpu.make_async_copy(src_hbm.at[pl.ds(ebase, CHA)], sidx_b,
                                  sem_ib).wait()
            pltpu.make_async_copy(dst_hbm.at[pl.ds(ebase, CHA)], didx_b,
                                  sem_ib).wait()
            pltpu.async_copy(y_hbm.at[sidx_b], rows_b, sem_gb)
            return carry

        lax.fori_loop(0, (NFULL - 2) // 2, body, 0)
        pltpu.make_async_copy(y_hbm.at[sidx_a], rows_a, sem_ga).wait()
        pltpu.sync_copy(rows_a, acc_sh.at[didx_a], add=True)
        pltpu.make_async_copy(y_hbm.at[sidx_b], rows_b, sem_gb).wait()
        pltpu.sync_copy(rows_b, acc_sh.at[didx_b], add=True)
        pltpu.sync_copy(src_hbm.at[pl.ds(ebase + NFULL * CHA, TAIL)], sidx_t)
        pltpu.sync_copy(dst_hbm.at[pl.ds(ebase + NFULL * CHA, TAIL)], didx_t)
        pltpu.async_copy(y_hbm.at[sidx_t], rows_t, sem_ga).wait()
        pltpu.sync_copy(rows_t, acc_sh.at[didx_t], add=True)
        plsc.subcore_barrier()
        pltpu.sync_copy(acc_sh.at[pl.ds(s * RPT, RPT)],
                        out_hbm.at[c].at[pl.ds(s * RPT, RPT)])

    return deg_kernel, agg_kernel


def _enc1_body(prop, cat, tweet, des,
               W_num, b_num, W_bool, b_bool, W_tweet, b_tweet, W_des, b_des,
               W_lin1, b_lin1, W_gcn, xw_out):
    hn = _lrelu(jnp.dot(prop[...], W_num[...],
                        preferred_element_type=jnp.float32) + b_num[...])
    hb = _lrelu(cat[...] * W_bool[...][0][None, :] + b_bool[...])
    ht = _lrelu(jnp.dot(tweet[...], W_tweet[...],
                        preferred_element_type=jnp.float32) + b_tweet[...])
    hd = _lrelu(jnp.dot(des[...], W_des[...],
                        preferred_element_type=jnp.float32) + b_des[...])
    h = jnp.concatenate([hn, hb, ht, hd], axis=1)
    h = _lrelu(jnp.dot(h, W_lin1[...],
                       preferred_element_type=jnp.float32) + b_lin1[...])
    xw_out[...] = jnp.dot(h, W_gcn[...], preferred_element_type=jnp.float32)


def _tc_enc1(prop, cat, tweet, des,
             W_num, b_num, W_bool, b_bool, W_tweet, b_tweet, W_des, b_des,
             W_lin1, b_lin1, W_gcn):
    B = 2000
    row = lambda i: (i, 0)
    full = lambda i: (0, 0)
    vec = lambda i: (0,)
    return pl.pallas_call(
        _enc1_body,
        grid=(N // B,),
        in_specs=[
            pl.BlockSpec((B, 5), row),
            pl.BlockSpec((B, 1), row),
            pl.BlockSpec((B, 768), row),
            pl.BlockSpec((B, 768), row),
            pl.BlockSpec((5, 32), full),
            pl.BlockSpec((32,), vec),
            pl.BlockSpec((1, 32), full),
            pl.BlockSpec((32,), vec),
            pl.BlockSpec((768, 32), full),
            pl.BlockSpec((32,), vec),
            pl.BlockSpec((768, 32), full),
            pl.BlockSpec((32,), vec),
            pl.BlockSpec((128, 128), full),
            pl.BlockSpec((128,), vec),
            pl.BlockSpec((128, 128), full),
        ],
        out_specs=pl.BlockSpec((B, D), row),
        out_shape=jax.ShapeDtypeStruct((N, D), jnp.float32),
    )(prop, cat, tweet, des,
      W_num, b_num, W_bool, b_bool, W_tweet, b_tweet, W_des, b_des,
      W_lin1, b_lin1, W_gcn)


def _enc2_body(xw, deg, y_out, dinv_out):
    dinv = lax.rsqrt(deg[...])
    y_out[...] = xw[...] * dinv
    dinv_out[...] = dinv


def _tc_enc2(xw, deg):
    B = 1000
    row = lambda i: (i, 0)
    return pl.pallas_call(
        _enc2_body,
        grid=(N // B,),
        in_specs=[
            pl.BlockSpec((B, D), row),
            pl.BlockSpec((B, 1), row),
        ],
        out_specs=[
            pl.BlockSpec((B, D), row),
            pl.BlockSpec((B, 1), row),
        ],
        out_shape=[
            jax.ShapeDtypeStruct((N, D), jnp.float32),
            jax.ShapeDtypeStruct((N, 1), jnp.float32),
        ],
    )(xw, deg)


def _fin_body(acc0, acc1, y, dinv, b_gcn, W1, b1, W2, b2, out):
    g = (acc0[0] + acc1[0] + y[...]) * dinv[...] + b_gcn[...]
    t = _lrelu(jnp.dot(g, W1[...], preferred_element_type=jnp.float32)
               + b1[...])
    out[...] = jnp.dot(t, W2[...], preferred_element_type=jnp.float32) + b2[...]


def _tc_final(accp, y, dinv, b_gcn, W1, b1, W2, b2):
    B = 1000
    row = lambda i: (i, 0)
    full = lambda i: (0, 0)
    vec = lambda i: (0,)
    return pl.pallas_call(
        _fin_body,
        grid=(N // B,),
        in_specs=[
            pl.BlockSpec((1, B, D), lambda i: (0, i, 0)),
            pl.BlockSpec((1, B, D), lambda i: (1, i, 0)),
            pl.BlockSpec((B, D), row),
            pl.BlockSpec((B, 1), row),
            pl.BlockSpec((128,), vec),
            pl.BlockSpec((128, 64), full),
            pl.BlockSpec((64,), vec),
            pl.BlockSpec((64, 2), full),
            pl.BlockSpec((2,), vec),
        ],
        out_specs=pl.BlockSpec((B, 2), row),
        out_shape=jax.ShapeDtypeStruct((N, 2), jnp.float32),
    )(accp, accp, y, dinv, b_gcn, W1, b1, W2, b2)


def kernel(des_features, tweet_features, prop_features, cat_features,
           edge_index, edge_type, W_num, b_num, W_bool, b_bool,
           W_tweet, b_tweet, W_des, b_des, W_lin1, b_lin1, W_gcn, b_gcn,
           W_out1, b_out1, W_out2, b_out2):
    src = edge_index[0]
    dst = edge_index[1]
    dst3 = dst.reshape(NW, NCHUNK, CH)

    ones_vec = jnp.ones((CH,), jnp.float32)
    zhist = jnp.zeros((RPT,), jnp.float32)
    zrows = jnp.zeros((RPT, D), jnp.float32)

    deg_kernel, agg_kernel = _sc_kernels()
    xw = _tc_enc1(
        prop_features, cat_features, tweet_features, des_features,
        W_num, b_num, W_bool, b_bool, W_tweet, b_tweet, W_des, b_des,
        W_lin1, b_lin1, W_gcn)
    hist = deg_kernel(dst3, ones_vec, zhist)
    deg = (hist[0, :N] + hist[1, :N] + 1.0)[:, None]
    y, dinv = _tc_enc2(xw, deg)

    accp = agg_kernel(y, src, dst, zrows)

    return _tc_final(accp, y, dinv, b_gcn, W_out1, b_out1, W_out2, b_out2)

# --- scband reference (transcript-rebuilt; emitter-appended) ---
"""Pipeline reference for scband-shgndetector-12738873000220 (READ-ONLY COPY).

The authoritative reference and input builder live on the scoring server;
editing this copy changes nothing except your own understanding.
"""

import jax, jax.numpy as jnp
import numpy as np

N = 10000
E = 320000

def _lrelu(x):
    return jnp.where(x >= 0, x, 0.01 * x)

def _glorot(key, shape):
    lim = float(np.sqrt(6.0 / (shape[0] + shape[1])))
    return jax.random.uniform(key, shape, minval=-lim, maxval=lim, dtype=jnp.float32)

def setup_inputs(seed: int = 0):
    key = jax.random.key(seed)
    ks = jax.random.split(key, 32)
    inp = {}
    inp['des_features'] = jax.random.normal(ks[0], (N, 768), dtype=jnp.float32)
    inp['tweet_features'] = jax.random.normal(ks[1], (N, 768), dtype=jnp.float32)
    inp['prop_features'] = jax.random.normal(ks[2], (N, 5), dtype=jnp.float32)
    inp['cat_features'] = jax.random.normal(ks[3], (N, 1), dtype=jnp.float32)
    inp['edge_index'] = jax.random.randint(ks[4], (2, E), 0, N, dtype=jnp.int32)
    inp['edge_type'] = jax.random.randint(ks[5], (E,), 0, 2, dtype=jnp.int32)
    inp['W_num'] = _glorot(ks[6], (5, 32));    inp['b_num'] = jnp.zeros((32,), jnp.float32)
    inp['W_bool'] = _glorot(ks[7], (1, 32));   inp['b_bool'] = jnp.zeros((32,), jnp.float32)
    inp['W_tweet'] = _glorot(ks[8], (768, 32));inp['b_tweet'] = jnp.zeros((32,), jnp.float32)
    inp['W_des'] = _glorot(ks[9], (768, 32));  inp['b_des'] = jnp.zeros((32,), jnp.float32)
    inp['W_lin1'] = _glorot(ks[10], (128, 128)); inp['b_lin1'] = jnp.zeros((128,), jnp.float32)
    inp['W_gcn'] = _glorot(ks[11], (128, 128));  inp['b_gcn'] = jnp.zeros((128,), jnp.float32)
    inp['W_out1'] = _glorot(ks[12], (128, 64));  inp['b_out1'] = jnp.zeros((64,), jnp.float32)
    inp['W_out2'] = _glorot(ks[13], (64, 2));    inp['b_out2'] = jnp.zeros((2,), jnp.float32)
    return inp

def _gcn_conv(x, edge_index, W, b):
    # PyG GCNConv: lin -> add self loops -> sym norm -> scatter-add -> +bias
    n = x.shape[0]
    xw = x @ W
    loop = jnp.arange(n, dtype=edge_index.dtype)
    src = jnp.concatenate([edge_index[0], loop])
    dst = jnp.concatenate([edge_index[1], loop])
    deg = jnp.zeros((n,), jnp.float32).at[dst].add(1.0)
    dinv = jnp.where(deg > 0, deg ** -0.5, 0.0)
    norm = dinv[src] * dinv[dst]
    out = jnp.zeros_like(xw).at[dst].add(norm[:, None] * xw[src])
    return out + b

def reference(des_features, tweet_features, prop_features, cat_features, edge_index, edge_type, W_num, b_num, W_bool, b_bool, W_tweet, b_tweet, W_des, b_des, W_lin1, b_lin1, W_gcn, b_gcn, W_out1, b_out1, W_out2, b_out2):
    # dropout is identity in eval mode
    h_num = _lrelu(prop_features @ W_num + b_num)
    h_bool = _lrelu(cat_features @ W_bool + b_bool)
    h_tweet = _lrelu(tweet_features @ W_tweet + b_tweet)
    h_des = _lrelu(des_features @ W_des + b_des)
    h = jnp.concatenate([h_num, h_bool, h_tweet, h_des], axis=1)
    h = _lrelu(h @ W_lin1 + b_lin1)
    h = _gcn_conv(h, edge_index, W_gcn, b_gcn)
    h = _lrelu(h @ W_out1 + b_out1)
    pred = h @ W_out2 + b_out2
    return pred

if __name__ == "__main__":
    import jax
    _d = setup_inputs()
    print(jax.jit(kernel)(*tuple(_d.values())))

</pallas_src>

<mosaic_0001>
#map = affine_map<(d0, d1) -> (0, 0)>
#map1 = affine_map<(d0, d1) -> (0)>
#map2 = affine_map<(d0, d1) -> (0, 0, 0)>
module attributes {stable_mosaic.version = 14 : i64} {
  func.func @agg_kernel(%arg0: i32, %arg1: i32, %arg2: memref<10000x128xf32, #tpu.memory_space<hbm>>, %arg3: memref<320000xi32, #tpu.memory_space<hbm>>, %arg4: memref<320000xi32, #tpu.memory_space<hbm>>, %arg5: memref<640x128xf32, #tpu.memory_space<hbm>>, %arg6: memref<2x10240x128xf32, #tpu.memory_space<hbm>>, %arg7: memref<128xi32, #tpu.memory_space<vmem>>, %arg8: memref<128xi32, #tpu.memory_space<vmem>>, %arg9: memref<128xi32, #tpu.memory_space<vmem>>, %arg10: memref<128xi32, #tpu.memory_space<vmem>>, %arg11: memref<16xi32, #tpu.memory_space<vmem>>, %arg12: memref<16xi32, #tpu.memory_space<vmem>>, %arg13: memref<128x128xf32, #tpu.memory_space<vmem>>, %arg14: memref<128x128xf32, #tpu.memory_space<vmem>>, %arg15: memref<16x128xf32, #tpu.memory_space<vmem>>, %arg16: memref<10240x128xf32, #tpu.memory_space<vmem_shared>>, %arg17: memref<!tpu.dma_semaphore, #tpu.memory_space<semaphore_mem>>, %arg18: memref<!tpu.dma_semaphore, #tpu.memory_space<semaphore_mem>>, %arg19: memref<!tpu.dma_semaphore, #tpu.memory_space<semaphore_mem>>, %arg20: memref<!tpu.dma_semaphore, #tpu.memory_space<semaphore_mem>>, %arg21: memref<!tpu.dma_semaphore, #tpu.memory_space<semaphore_mem>>, %arg22: memref<!tpu.dma_semaphore, #tpu.memory_space<semaphore_mem>>) attributes {dimension_semantics = [#tpu.dimension_semantics<core_parallel>, #tpu.dimension_semantics<subcore_parallel>], iteration_bounds = array<i64: 2, 16>, scalar_prefetch = 0 : i64, scratch_operands = 16 : i64, tpu.core_type = #tpu.core_type<sc_vector_subcore>, window_params = [{transform_indices = #map}, {transform_indices = #map1}, {transform_indices = #map1}, {transform_indices = #map}, {transform_indices = #map2}]} {
    %mul3A = arith.constant 16 : i32
    %mul3A_0 = arith.muli %arg0, %mul3A : i32
    %add3A = arith.addi %mul3A_0, %arg1 : i32
    %mul3A_1 = arith.constant 10000 : i32
    %mul3A_2 = arith.muli %add3A, %mul3A_1 : i32
    %mul3A_3 = arith.constant 640 : i32
    %mul3A_4 = arith.muli %arg1, %mul3A_3 : i32
    "tpu.region"() ({
      %run_scoped3A = tpu.sem_alloc : memref<!tpu.dma_semaphore, #tpu.memory_space<semaphore_mem>>
      %dma_start3A_39 = arith.constant 0 : i32
      %dma_start3A_40 = tpu.memref_slice %arg16[%mul3A_4, %dma_start3A_39] : memref<10240x128xf32, #tpu.memory_space<vmem_shared>> -> memref<640x128xf32, #tpu.memory_space<vmem_shared>>
      tpu.enqueue_dma source(%arg5 : memref<640x128xf32, #tpu.memory_space<hbm>>) target(%dma_start3A_40 : memref<640x128xf32, #tpu.memory_space<vmem_shared>>) target_semaphore(%run_scoped3A : memref<!tpu.dma_semaphore, #tpu.memory_space<semaphore_mem>>)
      %dma_wait3A_41 = arith.constant 0 : i32
      %dma_wait3A_42 = tpu.memref_slice %arg16[%mul3A_4, %dma_wait3A_41] : memref<10240x128xf32, #tpu.memory_space<vmem_shared>> -> memref<640x128xf32, #tpu.memory_space<vmem_shared>>
      tpu.wait_dma2 semaphore(%run_scoped3A : memref<!tpu.dma_semaphore, #tpu.memory_space<semaphore_mem>>) src(%arg5 : memref<640x128xf32, #tpu.memory_space<hbm>>) dst(%dma_wait3A_42 : memref<640x128xf32, #tpu.memory_space<vmem_shared>>)
      tpu.yield
    }) : () -> ()
    "tpu.region"() ({
      %run_scoped3A = tpu.sem_alloc : memref<!tpu.dma_semaphore, #tpu.memory_space<semaphore_mem>>
      %dma_start3A_39 = tpu.memref_slice %arg3[%mul3A_2] : memref<320000xi32, #tpu.memory_space<hbm>> -> memref<128xi32, #tpu.memory_space<hbm>>
      %dma_start3A_40 = tpu.memref_slice %arg3[%mul3A_2] : memref<320000xi32, #tpu.memory_space<hbm>> -> memref<128xi32, #tpu.memory_space<hbm>>
      tpu.enqueue_dma source(%dma_start3A_40 : memref<128xi32, #tpu.memory_space<hbm>>) target(%arg7 : memref<128xi32, #tpu.memory_space<vmem>>) target_semaphore(%run_scoped3A : memref<!tpu.dma_semaphore, #tpu.memory_space<semaphore_mem>>)
      %dma_wait3A_41 = tpu.memref_slice %arg3[%mul3A_2] : memref<320000xi32, #tpu.memory_space<hbm>> -> memref<128xi32, #tpu.memory_space<hbm>>
      %dma_wait3A_42 = tpu.memref_slice %arg3[%mul3A_2] : memref<320000xi32, #tpu.memory_space<hbm>> -> memref<128xi32, #tpu.memory_space<hbm>>
      tpu.wait_dma2 semaphore(%run_scoped3A : memref<!tpu.dma_semaphore, #tpu.memory_space<semaphore_mem>>) src(%dma_wait3A_42 : memref<128xi32, #tpu.memory_space<hbm>>) dst(%arg7 : memref<128xi32, #tpu.memory_space<vmem>>)
      tpu.yield
    }) : () -> ()
    "tpu.region"() ({
      %run_scoped3A = tpu.sem_alloc : memref<!tpu.dma_semaphore, #tpu.memory_space<semaphore_mem>>
      %dma_start3A_39 = tpu.memref_slice %arg4[%mul3A_2] : memref<320000xi32, #tpu.memory_space<hbm>> -> memref<128xi32, #tpu.memory_space<hbm>>
      %dma_start3A_40 = tpu.memref_slice %arg4[%mul3A_2] : memref<320000xi32, #tpu.memory_space<hbm>> -> memref<128xi32, #tpu.memory_space<hbm>>
      tpu.enqueue_dma source(%dma_start3A_40 : memref<128xi32, #tpu.memory_space<hbm>>) target(%arg8 : memref<128xi32, #tpu.memory_space<vmem>>) target_semaphore(%run_scoped3A : memref<!tpu.dma_semaphore, #tpu.memory_space<semaphore_mem>>)
      %dma_wait3A_41 = tpu.memref_slice %arg4[%mul3A_2] : memref<320000xi32, #tpu.memory_space<hbm>> -> memref<128xi32, #tpu.memory_space<hbm>>
      %dma_wait3A_42 = tpu.memref_slice %arg4[%mul3A_2] : memref<320000xi32, #tpu.memory_space<hbm>> -> memref<128xi32, #tpu.memory_space<hbm>>
      tpu.wait_dma2 semaphore(%run_scoped3A : memref<!tpu.dma_semaphore, #tpu.memory_space<semaphore_mem>>) src(%dma_wait3A_42 : memref<128xi32, #tpu.memory_space<hbm>>) dst(%arg8 : memref<128xi32, #tpu.memory_space<vmem>>)
      tpu.yield
    }) : () -> ()
    %add3A_5 = arith.constant 128 : i32
    %add3A_6 = arith.addi %mul3A_2, %add3A_5 : i32
    "tpu.region"() ({
      %run_scoped3A = tpu.sem_alloc : memref<!tpu.dma_semaphore, #tpu.memory_space<semaphore_mem>>
      %dma_start3A_39 = tpu.memref_slice %arg3[%add3A_6] : memref<320000xi32, #tpu.memory_space<hbm>> -> memref<128xi32, #tpu.memory_space<hbm>>
      %dma_start3A_40 = tpu.memref_slice %arg3[%add3A_6] : memref<320000xi32, #tpu.memory_space<hbm>> -> memref<128xi32, #tpu.memory_space<hbm>>
      tpu.enqueue_dma source(%dma_start3A_40 : memref<128xi32, #tpu.memory_space<hbm>>) target(%arg9 : memref<128xi32, #tpu.memory_space<vmem>>) target_semaphore(%run_scoped3A : memref<!tpu.dma_semaphore, #tpu.memory_space<semaphore_mem>>)
      %dma_wait3A_41 = tpu.memref_slice %arg3[%add3A_6] : memref<320000xi32, #tpu.memory_space<hbm>> -> memref<128xi32, #tpu.memory_space<hbm>>
      %dma_wait3A_42 = tpu.memref_slice %arg3[%add3A_6] : memref<320000xi32, #tpu.memory_space<hbm>> -> memref<128xi32, #tpu.memory_space<hbm>>
      tpu.wait_dma2 semaphore(%run_scoped3A : memref<!tpu.dma_semaphore, #tpu.memory_space<semaphore_mem>>) src(%dma_wait3A_42 : memref<128xi32, #tpu.memory_space<hbm>>) dst(%arg9 : memref<128xi32, #tpu.memory_space<vmem>>)
      tpu.yield
    }) : () -> ()
    %add3A_7 = arith.constant 128 : i32
    %add3A_8 = arith.addi %mul3A_2, %add3A_7 : i32
    "tpu.region"() ({
      %run_scoped3A = tpu.sem_alloc : memref<!tpu.dma_semaphore, #tpu.memory_space<semaphore_mem>>
      %dma_start3A_39 = tpu.memref_slice %arg4[%add3A_8] : memref<320000xi32, #tpu.memory_space<hbm>> -> memref<128xi32, #tpu.memory_space<hbm>>
      %dma_start3A_40 = tpu.memref_slice %arg4[%add3A_8] : memref<320000xi32, #tpu.memory_space<hbm>> -> memref<128xi32, #tpu.memory_space<hbm>>
      tpu.enqueue_dma source(%dma_start3A_40 : memref<128xi32, #tpu.memory_space<hbm>>) target(%arg10 : memref<128xi32, #tpu.memory_space<vmem>>) target_semaphore(%run_scoped3A : memref<!tpu.dma_semaphore, #tpu.memory_space<semaphore_mem>>)
      %dma_wait3A_41 = tpu.memref_slice %arg4[%add3A_8] : memref<320000xi32, #tpu.memory_space<hbm>> -> memref<128xi32, #tpu.memory_space<hbm>>
      %dma_wait3A_42 = tpu.memref_slice %arg4[%add3A_8] : memref<320000xi32, #tpu.memory_space<hbm>> -> memref<128xi32, #tpu.memory_space<hbm>>
      tpu.wait_dma2 semaphore(%run_scoped3A : memref<!tpu.dma_semaphore, #tpu.memory_space<semaphore_mem>>) src(%dma_wait3A_42 : memref<128xi32, #tpu.memory_space<hbm>>) dst(%arg10 : memref<128xi32, #tpu.memory_space<vmem>>)
      tpu.yield
    }) : () -> ()
    %barrier3A = arith.constant 0 : index
    tpu.barrier barrier_id(%barrier3A)
    %dma_start3A = arith.constant 0 : i32
    %dma_start3A_9 = arith.constant 0 : i32
    %dma_start3A_10 = tpu.memref_slice %arg2[%dma_start3A, %dma_start3A_9] : memref<10000x128xf32, #tpu.memory_space<hbm>> -> memref<10000x128xf32, #tpu.memory_space<hbm>>
    tpu.enqueue_indirect_dma source(%dma_start3A_10 : memref<10000x128xf32, #tpu.memory_space<hbm>>) target(%arg13 : memref<128x128xf32, #tpu.memory_space<vmem>>) offsets(%arg7 : memref<128xi32, #tpu.memory_space<vmem>>) semaphore(%arg17 : memref<!tpu.dma_semaphore, #tpu.memory_space<semaphore_mem>>)
    %dma_start3A_11 = arith.constant 0 : i32
    %dma_start3A_12 = arith.constant 0 : i32
    %dma_start3A_13 = tpu.memref_slice %arg2[%dma_start3A_11, %dma_start3A_12] : memref<10000x128xf32, #tpu.memory_space<hbm>> -> memref<10000x128xf32, #tpu.memory_space<hbm>>
    tpu.enqueue_indirect_dma source(%dma_start3A_13 : memref<10000x128xf32, #tpu.memory_space<hbm>>) target(%arg14 : memref<128x128xf32, #tpu.memory_space<vmem>>) offsets(%arg9 : memref<128xi32, #tpu.memory_space<vmem>>) semaphore(%arg18 : memref<!tpu.dma_semaphore, #tpu.memory_space<semaphore_mem>>)
    %scan3A = arith.constant 0 : i32
    %scan3A_14 = arith.constant 0 : i32
    %scan3A_15 = arith.constant 38 : i32
    %scan3A_16 = arith.addi %scan3A_14, %scan3A_15 : i32
    %scan3A_17 = arith.constant 1 : i32
    scf.for %scan3A_39 = %scan3A_14 to %scan3A_16 step %scan3A_17  : i32 {
      %mul3A_40 = arith.constant 2 : i32
      %mul3A_41 = arith.muli %mul3A_40, %scan3A_39 : i32
      %dma_wait3A_42 = arith.constant 0 : i32
      %dma_wait3A_43 = arith.constant 0 : i32
      %dma_wait3A_44 = tpu.memref_slice %arg2[%dma_wait3A_42, %dma_wait3A_43] : memref<10000x128xf32, #tpu.memory_space<hbm>> -> memref<10000x128xf32, #tpu.memory_space<hbm>>
      tpu.wait_indirect_dma semaphore(%arg17 : memref<!tpu.dma_semaphore, #tpu.memory_space<semaphore_mem>>) src(%dma_wait3A_44 : memref<10000x128xf32, #tpu.memory_space<hbm>>) dst(%arg13 : memref<128x128xf32, #tpu.memory_space<vmem>>)
      %dma_start3A_45 = arith.constant 0 : i32
      %dma_start3A_46 = arith.constant 0 : i32
      %dma_start3A_47 = tpu.memref_slice %arg16[%dma_start3A_45, %dma_start3A_46] : memref<10240x128xf32, #tpu.memory_space<vmem_shared>> -> memref<10240x128xf32, #tpu.memory_space<vmem_shared>>
      tpu.enqueue_indirect_dma source(%arg13 : memref<128x128xf32, #tpu.memory_space<vmem>>) target(%dma_start3A_47 : memref<10240x128xf32, #tpu.memory_space<vmem_shared>>) offsets(%arg8 : memref<128xi32, #tpu.memory_space<vmem>>) semaphore(%arg21 : memref<!tpu.dma_semaphore, #tpu.memory_space<semaphore_mem>>) {add = true}
      %dma_wait3A_48 = arith.constant 0 : i32
      %dma_wait3A_49 = arith.constant 0 : i32
      %dma_wait3A_50 = tpu.memref_slice %arg2[%dma_wait3A_48, %dma_wait3A_49] : memref<10000x128xf32, #tpu.memory_space<hbm>> -> memref<10000x128xf32, #tpu.memory_space<hbm>>
      tpu.wait_indirect_dma semaphore(%arg18 : memref<!tpu.dma_semaphore, #tpu.memory_space<semaphore_mem>>) src(%dma_wait3A_50 : memref<10000x128xf32, #tpu.memory_space<hbm>>) dst(%arg14 : memref<128x128xf32, #tpu.memory_space<vmem>>)
      %dma_start3A_51 = arith.constant 0 : i32
      %dma_start3A_52 = arith.constant 0 : i32
      %dma_start3A_53 = tpu.memref_slice %arg16[%dma_start3A_51, %dma_start3A_52] : memref<10240x128xf32, #tpu.memory_space<vmem_shared>> -> memref<10240x128xf32, #tpu.memory_space<vmem_shared>>
      tpu.enqueue_indirect_dma source(%arg14 : memref<128x128xf32, #tpu.memory_space<vmem>>) target(%dma_start3A_53 : memref<10240x128xf32, #tpu.memory_space<vmem_shared>>) offsets(%arg10 : memref<128xi32, #tpu.memory_space<vmem>>) semaphore(%arg22 : memref<!tpu.dma_semaphore, #tpu.memory_space<semaphore_mem>>) {add = true}
      %dma_wait3A_54 = arith.constant 0 : i32
      %dma_wait3A_55 = arith.constant 0 : i32
      %dma_wait3A_56 = tpu.memref_slice %arg16[%dma_wait3A_54, %dma_wait3A_55] : memref<10240x128xf32, #tpu.memory_space<vmem_shared>> -> memref<10240x128xf32, #tpu.memory_space<vmem_shared>>
      tpu.wait_indirect_dma semaphore(%arg21 : memref<!tpu.dma_semaphore, #tpu.memory_space<semaphore_mem>>) src(%arg13 : memref<128x128xf32, #tpu.memory_space<vmem>>) dst(%dma_wait3A_56 : memref<10240x128xf32, #tpu.memory_space<vmem_shared>>)
      %add3A_57 = arith.constant 2 : i32
      %add3A_58 = arith.addi %mul3A_41, %add3A_57 : i32
      %mul3A_59 = arith.constant 128 : i32
      %mul3A_60 = arith.muli %add3A_58, %mul3A_59 : i32
      %add3A_61 = arith.addi %mul3A_2, %mul3A_60 : i32
      %dma_start3A_62 = tpu.memref_slice %arg3[%add3A_61] : memref<320000xi32, #tpu.memory_space<hbm>> -> memref<128xi32, #tpu.memory_space<hbm>>
      %dma_start3A_63 = tpu.memref_slice %arg3[%add3A_61] : memref<320000xi32, #tpu.memory_space<hbm>> -> memref<128xi32, #tpu.memory_space<hbm>>
      tpu.enqueue_dma source(%dma_start3A_63 : memref<128xi32, #tpu.memory_space<hbm>>) target(%arg7 : memref<128xi32, #tpu.memory_space<vmem>>) target_semaphore(%arg19 : memref<!tpu.dma_semaphore, #tpu.memory_space<semaphore_mem>>)
      %add3A_64 = arith.constant 2 : i32
      %add3A_65 = arith.addi %mul3A_41, %add3A_64 : i32
      %mul3A_66 = arith.constant 128 : i32
      %mul3A_67 = arith.muli %add3A_65, %mul3A_66 : i32
      %add3A_68 = arith.addi %mul3A_2, %mul3A_67 : i32
      %dma_start3A_69 = tpu.memref_slice %arg4[%add3A_68] : memref<320000xi32, #tpu.memory_space<hbm>> -> memref<128xi32, #tpu.memory_space<hbm>>
      %dma_start3A_70 = tpu.memref_slice %arg4[%add3A_68] : memref<320000xi32, #tpu.memory_space<hbm>> -> memref<128xi32, #tpu.memory_space<hbm>>
      tpu.enqueue_dma source(%dma_start3A_70 : memref<128xi32, #tpu.memory_space<hbm>>) target(%arg8 : memref<128xi32, #tpu.memory_space<vmem>>) target_semaphore(%arg19 : memref<!tpu.dma_semaphore, #tpu.memory_space<semaphore_mem>>)
      %dma_wait3A_71 = tpu.memref_slice %arg3[%mul3A_2] : memref<320000xi32, #tpu.memory_space<hbm>> -> memref<128xi32, #tpu.memory_space<hbm>>
      %dma_wait3A_72 = tpu.memref_slice %arg3[%mul3A_2] : memref<320000xi32, #tpu.memory_space<hbm>> -> memref<128xi32, #tpu.memory_space<hbm>>
      tpu.wait_dma2 semaphore(%arg19 : memref<!tpu.dma_semaphore, #tpu.memory_space<semaphore_mem>>) src(%dma_wait3A_72 : memref<128xi32, #tpu.memory_space<hbm>>) dst(%arg7 : memref<128xi32, #tpu.memory_space<vmem>>)
      %dma_wait3A_73 = tpu.memref_slice %arg4[%mul3A_2] : memref<320000xi32, #tpu.memory_space<hbm>> -> memref<128xi32, #tpu.memory_space<hbm>>
      %dma_wait3A_74 = tpu.memref_slice %arg4[%mul3A_2] : memref<320000xi32, #tpu.memory_space<hbm>> -> memref<128xi32, #tpu.memory_space<hbm>>
      tpu.wait_dma2 semaphore(%arg19 : memref<!tpu.dma_semaphore, #tpu.memory_space<semaphore_mem>>) src(%dma_wait3A_74 : memref<128xi32, #tpu.memory_space<hbm>>) dst(%arg8 : memref<128xi32, #tpu.memory_space<vmem>>)
      %dma_start3A_75 = arith.constant 0 : i32
      %dma_start3A_76 = arith.constant 0 : i32
      %dma_start3A_77 = tpu.memref_slice %arg2[%dma_start3A_75, %dma_start3A_76] : memref<10000x128xf32, #tpu.memory_space<hbm>> -> memref<10000x128xf32, #tpu.memory_space<hbm>>
      tpu.enqueue_indirect_dma source(%dma_start3A_77 : memref<10000x128xf32, #tpu.memory_space<hbm>>) target(%arg13 : memref<128x128xf32, #tpu.memory_space<vmem>>) offsets(%arg7 : memref<128xi32, #tpu.memory_space<vmem>>) semaphore(%arg17 : memref<!tpu.dma_semaphore, #tpu.memory_space<semaphore_mem>>)
      %dma_wait3A_78 = arith.constant 0 : i32
      %dma_wait3A_79 = arith.constant 0 : i32
      %dma_wait3A_80 = tpu.memref_slice %arg16[%dma_wait3A_78, %dma_wait3A_79] : memref<10240x128xf32, #tpu.memory_space<vmem_shared>> -> memref<10240x128xf32, #tpu.memory_space<vmem_shared>>
      tpu.wait_indirect_dma semaphore(%arg22 : memref<!tpu.dma_semaphore, #tpu.memory_space<semaphore_mem>>) src(%arg14 : memref<128x128xf32, #tpu.memory_space<vmem>>) dst(%dma_wait3A_80 : memref<10240x128xf32, #tpu.memory_space<vmem_shared>>)
      %add3A_81 = arith.constant 3 : i32
      %add3A_82 = arith.addi %mul3A_41, %add3A_81 : i32
      %mul3A_83 = arith.constant 128 : i32
      %mul3A_84 = arith.muli %add3A_82, %mul3A_83 : i32
      %add3A_85 = arith.addi %mul3A_2, %mul3A_84 : i32
      %dma_start3A_86 = tpu.memref_slice %arg3[%add3A_85] : memref<320000xi32, #tpu.memory_space<hbm>> -> memref<128xi32, #tpu.memory_space<hbm>>
      %dma_start3A_87 = tpu.memref_slice %arg3[%add3A_85] : memref<320000xi32, #tpu.memory_space<hbm>> -> memref<128xi32, #tpu.memory_space<hbm>>
      tpu.enqueue_dma source(%dma_start3A_87 : memref<128xi32, #tpu.memory_space<hbm>>) target(%arg9 : memref<128xi32, #tpu.memory_space<vmem>>) target_semaphore(%arg20 : memref<!tpu.dma_semaphore, #tpu.memory_space<semaphore_mem>>)
      %add3A_88 = arith.constant 3 : i32
      %add3A_89 = arith.addi %mul3A_41, %add3A_88 : i32
      %mul3A_90 = arith.constant 128 : i32
      %mul3A_91 = arith.muli %add3A_89, %mul3A_90 : i32
      %add3A_92 = arith.addi %mul3A_2, %mul3A_91 : i32
      %dma_start3A_93 = tpu.memref_slice %arg4[%add3A_92] : memref<320000xi32, #tpu.memory_space<hbm>> -> memref<128xi32, #tpu.memory_space<hbm>>
      %dma_start3A_94 = tpu.memref_slice %arg4[%add3A_92] : memref<320000xi32, #tpu.memory_space<hbm>> -> memref<128xi32, #tpu.memory_space<hbm>>
      tpu.enqueue_dma source(%dma_start3A_94 : memref<128xi32, #tpu.memory_space<hbm>>) target(%arg10 : memref<128xi32, #tpu.memory_space<vmem>>) target_semaphore(%arg20 : memref<!tpu.dma_semaphore, #tpu.memory_space<semaphore_mem>>)
      %dma_wait3A_95 = tpu.memref_slice %arg3[%mul3A_2] : memref<320000xi32, #tpu.memory_space<hbm>> -> memref<128xi32, #tpu.memory_space<hbm>>
      %dma_wait3A_96 = tpu.memref_slice %arg3[%mul3A_2] : memref<320000xi32, #tpu.memory_space<hbm>> -> memref<128xi32, #tpu.memory_space<hbm>>
      tpu.wait_dma2 semaphore(%arg20 : memref<!tpu.dma_semaphore, #tpu.memory_space<semaphore_mem>>) src(%dma_wait3A_96 : memref<128xi32, #tpu.memory_space<hbm>>) dst(%arg9 : memref<128xi32, #tpu.memory_space<vmem>>)
      %dma_wait3A_97 = tpu.memref_slice %arg4[%mul3A_2] : memref<320000xi32, #tpu.memory_space<hbm>> -> memref<128xi32, #tpu.memory_space<hbm>>
      %dma_wait3A_98 = tpu.memref_slice %arg4[%mul3A_2] : memref<320000xi32, #tpu.memory_space<hbm>> -> memref<128xi32, #tpu.memory_space<hbm>>
      tpu.wait_dma2 semaphore(%arg20 : memref<!tpu.dma_semaphore, #tpu.memory_space<semaphore_mem>>) src(%dma_wait3A_98 : memref<128xi32, #tpu.memory_space<hbm>>) dst(%arg10 : memref<128xi32, #tpu.memory_space<vmem>>)
      %dma_start3A_99 = arith.constant 0 : i32
      %dma_start3A_100 = arith.constant 0 : i32
      %dma_start3A_101 = tpu.memref_slice %arg2[%dma_start3A_99, %dma_start3A_100] : memref<10000x128xf32, #tpu.memory_space<hbm>> -> memref<10000x128xf32, #tpu.memory_space<hbm>>
      tpu.enqueue_indirect_dma source(%dma_start3A_101 : memref<10000x128xf32, #tpu.memory_space<hbm>>) target(%arg14 : memref<128x128xf32, #tpu.memory_space<vmem>>) offsets(%arg9 : memref<128xi32, #tpu.memory_space<vmem>>) semaphore(%arg18 : memref<!tpu.dma_semaphore, #tpu.memory_space<semaphore_mem>>)
    }
    %scan3A_18 = arith.constant 38 : i32
    %dma_wait3A = arith.constant 0 : i32
    %dma_wait3A_19 = arith.constant 0 : i32
    %dma_wait3A_20 = tpu.memref_slice %arg2[%dma_wait3A, %dma_wait3A_19] : memref<10000x128xf32, #tpu.memory_space<hbm>> -> memref<10000x128xf32, #tpu.memory_space<hbm>>
    tpu.wait_indirect_dma semaphore(%arg17 : memref<!tpu.dma_semaphore, #tpu.memory_space<semaphore_mem>>) src(%dma_wait3A_20 : memref<10000x128xf32, #tpu.memory_space<hbm>>) dst(%arg13 : memref<128x128xf32, #tpu.memory_space<vmem>>)
    "tpu.region"() ({
      %run_scoped3A = tpu.sem_alloc : memref<!tpu.dma_semaphore, #tpu.memory_space<semaphore_mem>>
      %dma_start3A_39 = arith.constant 0 : i32
      %dma_start3A_40 = arith.constant 0 : i32
      %dma_start3A_41 = tpu.memref_slice %arg16[%dma_start3A_39, %dma_start3A_40] : memref<10240x128xf32, #tpu.memory_space<vmem_shared>> -> memref<10240x128xf32, #tpu.memory_space<vmem_shared>>
      tpu.enqueue_indirect_dma source(%arg13 : memref<128x128xf32, #tpu.memory_space<vmem>>) target(%dma_start3A_41 : memref<10240x128xf32, #tpu.memory_space<vmem_shared>>) offsets(%arg8 : memref<128xi32, #tpu.memory_space<vmem>>) semaphore(%run_scoped3A : memref<!tpu.dma_semaphore, #tpu.memory_space<semaphore_mem>>) {add = true}
      %dma_wait3A_42 = arith.constant 0 : i32
      %dma_wait3A_43 = arith.constant 0 : i32
      %dma_wait3A_44 = tpu.memref_slice %arg16[%dma_wait3A_42, %dma_wait3A_43] : memref<10240x128xf32, #tpu.memory_space<vmem_shared>> -> memref<10240x128xf32, #tpu.memory_space<vmem_shared>>
      tpu.wait_indirect_dma semaphore(%run_scoped3A : memref<!tpu.dma_semaphore, #tpu.memory_space<semaphore_mem>>) src(%arg13 : memref<128x128xf32, #tpu.memory_space<vmem>>) dst(%dma_wait3A_44 : memref<10240x128xf32, #tpu.memory_space<vmem_shared>>)
      tpu.yield
    }) : () -> ()
    %dma_wait3A_21 = arith.constant 0 : i32
    %dma_wait3A_22 = arith.constant 0 : i32
    %dma_wait3A_23 = tpu.memref_slice %arg2[%dma_wait3A_21, %dma_wait3A_22] : memref<10000x128xf32, #tpu.memory_space<hbm>> -> memref<10000x128xf32, #tpu.memory_space<hbm>>
    tpu.wait_indirect_dma semaphore(%arg18 : memref<!tpu.dma_semaphore, #tpu.memory_space<semaphore_mem>>) src(%dma_wait3A_23 : memref<10000x128xf32, #tpu.memory_space<hbm>>) dst(%arg14 : memref<128x128xf32, #tpu.memory_space<vmem>>)
    "tpu.region"() ({
      %run_scoped3A = tpu.sem_alloc : memref<!tpu.dma_semaphore, #tpu.memory_space<semaphore_mem>>
      %dma_start3A_39 = arith.constant 0 : i32
      %dma_start3A_40 = arith.constant 0 : i32
      %dma_start3A_41 = tpu.memref_slice %arg16[%dma_start3A_39, %dma_start3A_40] : memref<10240x128xf32, #tpu.memory_space<vmem_shared>> -> memref<10240x128xf32, #tpu.memory_space<vmem_shared>>
      tpu.enqueue_indirect_dma source(%arg14 : memref<128x128xf32, #tpu.memory_space<vmem>>) target(%dma_start3A_41 : memref<10240x128xf32, #tpu.memory_space<vmem_shared>>) offsets(%arg10 : memref<128xi32, #tpu.memory_space<vmem>>) semaphore(%run_scoped3A : memref<!tpu.dma_semaphore, #tpu.memory_space<semaphore_mem>>) {add = true}
      %dma_wait3A_42 = arith.constant 0 : i32
      %dma_wait3A_43 = arith.constant 0 : i32
      %dma_wait3A_44 = tpu.memref_slice %arg16[%dma_wait3A_42, %dma_wait3A_43] : memref<10240x128xf32, #tpu.memory_space<vmem_shared>> -> memref<10240x128xf32, #tpu.memory_space<vmem_shared>>
      tpu.wait_indirect_dma semaphore(%run_scoped3A : memref<!tpu.dma_semaphore, #tpu.memory_space<semaphore_mem>>) src(%arg14 : memref<128x128xf32, #tpu.memory_space<vmem>>) dst(%dma_wait3A_44 : memref<10240x128xf32, #tpu.memory_space<vmem_shared>>)
      tpu.yield
    }) : () -> ()
    %add3A_24 = arith.constant 9984 : i32
    %add3A_25 = arith.addi %mul3A_2, %add3A_24 : i32
    "tpu.region"() ({
      %run_scoped3A = tpu.sem_alloc : memref<!tpu.dma_semaphore, #tpu.memory_space<semaphore_mem>>
      %dma_start3A_39 = tpu.memref_slice %arg3[%add3A_25] : memref<320000xi32, #tpu.memory_space<hbm>> -> memref<16xi32, #tpu.memory_space<hbm>>
      %dma_start3A_40 = tpu.memref_slice %arg3[%add3A_25] : memref<320000xi32, #tpu.memory_space<hbm>> -> memref<16xi32, #tpu.memory_space<hbm>>
      tpu.enqueue_dma source(%dma_start3A_40 : memref<16xi32, #tpu.memory_space<hbm>>) target(%arg11 : memref<16xi32, #tpu.memory_space<vmem>>) target_semaphore(%run_scoped3A : memref<!tpu.dma_semaphore, #tpu.memory_space<semaphore_mem>>)
      %dma_wait3A_41 = tpu.memref_slice %arg3[%add3A_25] : memref<320000xi32, #tpu.memory_space<hbm>> -> memref<16xi32, #tpu.memory_space<hbm>>
      %dma_wait3A_42 = tpu.memref_slice %arg3[%add3A_25] : memref<320000xi32, #tpu.memory_space<hbm>> -> memref<16xi32, #tpu.memory_space<hbm>>
      tpu.wait_dma2 semaphore(%run_scoped3A : memref<!tpu.dma_semaphore, #tpu.memory_space<semaphore_mem>>) src(%dma_wait3A_42 : memref<16xi32, #tpu.memory_space<hbm>>) dst(%arg11 : memref<16xi32, #tpu.memory_space<vmem>>)
      tpu.yield
    }) : () -> ()
    %add3A_26 = arith.constant 9984 : i32
    %add3A_27 = arith.addi %mul3A_2, %add3A_26 : i32
    "tpu.region"() ({
      %run_scoped3A = tpu.sem_alloc : memref<!tpu.dma_semaphore, #tpu.memory_space<semaphore_mem>>
      %dma_start3A_39 = tpu.memref_slice %arg4[%add3A_27] : memref<320000xi32, #tpu.memory_space<hbm>> -> memref<16xi32, #tpu.memory_space<hbm>>
      %dma_start3A_40 = tpu.memref_slice %arg4[%add3A_27] : memref<320000xi32, #tpu.memory_space<hbm>> -> memref<16xi32, #tpu.memory_space<hbm>>
      tpu.enqueue_dma source(%dma_start3A_40 : memref<16xi32, #tpu.memory_space<hbm>>) target(%arg12 : memref<16xi32, #tpu.memory_space<vmem>>) target_semaphore(%run_scoped3A : memref<!tpu.dma_semaphore, #tpu.memory_space<semaphore_mem>>)
      %dma_wait3A_41 = tpu.memref_slice %arg4[%add3A_27] : memref<320000xi32, #tpu.memory_space<hbm>> -> memref<16xi32, #tpu.memory_space<hbm>>
      %dma_wait3A_42 = tpu.memref_slice %arg4[%add3A_27] : memref<320000xi32, #tpu.memory_space<hbm>> -> memref<16xi32, #tpu.memory_space<hbm>>
      tpu.wait_dma2 semaphore(%run_scoped3A : memref<!tpu.dma_semaphore, #tpu.memory_space<semaphore_mem>>) src(%dma_wait3A_42 : memref<16xi32, #tpu.memory_space<hbm>>) dst(%arg12 : memref<16xi32, #tpu.memory_space<vmem>>)
      tpu.yield
    }) : () -> ()
    %dma_start3A_28 = arith.constant 0 : i32
    %dma_start3A_29 = arith.constant 0 : i32
    %dma_start3A_30 = tpu.memref_slice %arg2[%dma_start3A_28, %dma_start3A_29] : memref<10000x128xf32, #tpu.memory_space<hbm>> -> memref<10000x128xf32, #tpu.memory_space<hbm>>
    tpu.enqueue_indirect_dma source(%dma_start3A_30 : memref<10000x128xf32, #tpu.memory_space<hbm>>) target(%arg15 : memref<16x128xf32, #tpu.memory_space<vmem>>) offsets(%arg11 : memref<16xi32, #tpu.memory_space<vmem>>) semaphore(%arg17 : memref<!tpu.dma_semaphore, #tpu.memory_space<semaphore_mem>>)
    %dma_wait3A_31 = arith.constant 0 : i32
    %dma_wait3A_32 = arith.constant 0 : i32
    %dma_wait3A_33 = tpu.memref_slice %arg2[%dma_wait3A_31, %dma_wait3A_32] : memref<10000x128xf32, #tpu.memory_space<hbm>> -> memref<10000x128xf32, #tpu.memory_space<hbm>>
    tpu.wait_indirect_dma semaphore(%arg17 : memref<!tpu.dma_semaphore, #tpu.memory_space<semaphore_mem>>) src(%dma_wait3A_33 : memref<10000x128xf32, #tpu.memory_space<hbm>>) dst(%arg15 : memref<16x128xf32, #tpu.memory_space<vmem>>)
    "tpu.region"() ({
      %run_scoped3A = tpu.sem_alloc : memref<!tpu.dma_semaphore, #tpu.memory_space<semaphore_mem>>
      %dma_start3A_39 = arith.constant 0 : i32
      %dma_start3A_40 = arith.constant 0 : i32
      %dma_start3A_41 = tpu.memref_slice %arg16[%dma_start3A_39, %dma_start3A_40] : memref<10240x128xf32, #tpu.memory_space<vmem_shared>> -> memref<10240x128xf32, #tpu.memory_space<vmem_shared>>
      tpu.enqueue_indirect_dma source(%arg15 : memref<16x128xf32, #tpu.memory_space<vmem>>) target(%dma_start3A_41 : memref<10240x128xf32, #tpu.memory_space<vmem_shared>>) offsets(%arg12 : memref<16xi32, #tpu.memory_space<vmem>>) semaphore(%run_scoped3A : memref<!tpu.dma_semaphore, #tpu.memory_space<semaphore_mem>>) {add = true}
      %dma_wait3A_42 = arith.constant 0 : i32
      %dma_wait3A_43 = arith.constant 0 : i32
      %dma_wait3A_44 = tpu.memref_slice %arg16[%dma_wait3A_42, %dma_wait3A_43] : memref<10240x128xf32, #tpu.memory_space<vmem_shared>> -> memref<10240x128xf32, #tpu.memory_space<vmem_shared>>
      tpu.wait_indirect_dma semaphore(%run_scoped3A : memref<!tpu.dma_semaphore, #tpu.memory_space<semaphore_mem>>) src(%arg15 : memref<16x128xf32, #tpu.memory_space<vmem>>) dst(%dma_wait3A_44 : memref<10240x128xf32, #tpu.memory_space<vmem_shared>>)
      tpu.yield
    }) : () -> ()
    %barrier3A_34 = arith.constant 0 : index
    tpu.barrier barrier_id(%barrier3A_34)
    %mul3A_35 = arith.constant 640 : i32
    %mul3A_36 = arith.muli %arg1, %mul3A_35 : i32
    %mul3A_37 = arith.constant 640 : i32
    %mul3A_38 = arith.muli %arg1, %mul3A_37 : i32
    "tpu.region"() ({
      %run_scoped3A = tpu.sem_alloc : memref<!tpu.dma_semaphore, #tpu.memory_space<semaphore_mem>>
      %dma_start3A_39 = arith.constant 0 : i32
      %dma_start3A_40 = arith.constant 0 : i32
      %dma_start3A_41 = tpu.memref_slice %arg6[%arg0, %dma_start3A_39, %dma_start3A_40] : memref<2x10240x128xf32, #tpu.memory_space<hbm>> -> memref<1x10240x128xf32, #tpu.memory_space<hbm>>
      %dma_start3A_42 = tpu.memref_squeeze %dma_start3A_41 : memref<1x10240x128xf32, #tpu.memory_space<hbm>> -> memref<10240x128xf32, #tpu.memory_space<hbm>>
      %dma_start3A_43 = arith.constant 0 : i32
      %dma_start3A_44 = tpu.memref_slice %dma_start3A_42[%mul3A_38, %dma_start3A_43] : memref<10240x128xf32, #tpu.memory_space<hbm>> -> memref<640x128xf32, #tpu.memory_space<hbm>>
      %dma_start3A_45 = arith.constant 0 : i32
      %dma_start3A_46 = tpu.memref_slice %arg16[%mul3A_36, %dma_start3A_45] : memref<10240x128xf32, #tpu.memory_space<vmem_shared>> -> memref<640x128xf32, #tpu.memory_space<vmem_shared>>
      tpu.enqueue_dma source(%dma_start3A_46 : memref<640x128xf32, #tpu.memory_space<vmem_shared>>) target(%dma_start3A_44 : memref<640x128xf32, #tpu.memory_space<hbm>>) target_semaphore(%run_scoped3A : memref<!tpu.dma_semaphore, #tpu.memory_space<semaphore_mem>>)
      %dma_wait3A_47 = arith.constant 0 : i32
      %dma_wait3A_48 = arith.constant 0 : i32
      %dma_wait3A_49 = tpu.memref_slice %arg6[%arg0, %dma_wait3A_47, %dma_wait3A_48] : memref<2x10240x128xf32, #tpu.memory_space<hbm>> -> memref<1x10240x128xf32, #tpu.memory_space<hbm>>
      %dma_wait3A_50 = tpu.memref_squeeze %dma_wait3A_49 : memref<1x10240x128xf32, #tpu.memory_space<hbm>> -> memref<10240x128xf32, #tpu.memory_space<hbm>>
      %dma_wait3A_51 = arith.constant 0 : i32
      %dma_wait3A_52 = tpu.memref_slice %dma_wait3A_50[%mul3A_38, %dma_wait3A_51] : memref<10240x128xf32, #tpu.memory_space<hbm>> -> memref<640x128xf32, #tpu.memory_space<hbm>>
      %dma_wait3A_53 = arith.constant 0 : i32
      %dma_wait3A_54 = tpu.memref_slice %arg16[%mul3A_36, %dma_wait3A_53] : memref<10240x128xf32, #tpu.memory_space<vmem_shared>> -> memref<640x128xf32, #tpu.memory_space<vmem_shared>>
      tpu.wait_dma2 semaphore(%run_scoped3A : memref<!tpu.dma_semaphore, #tpu.memory_space<semaphore_mem>>) src(%dma_wait3A_54 : memref<640x128xf32, #tpu.memory_space<vmem_shared>>) dst(%dma_wait3A_52 : memref<640x128xf32, #tpu.memory_space<hbm>>)
      tpu.yield
    }) : () -> ()
    return
  }
}

#map = affine_map<(d0, d1) -> (0, 0, 0)>
#map1 = affine_map<(d0, d1) -> (0)>
#map2 = affine_map<(d0, d1) -> (0, 0)>
module attributes {stable_mosaic.version = 14 : i64} {
  func.func @deg_kernel(%arg0: i32, %arg1: i32, %arg2: memref<32x125x80xi32, #tpu.memory_space<hbm>>, %arg3: memref<80xf32, #tpu.memory_space<hbm>>, %arg4: memref<640xf32, #tpu.memory_space<hbm>>, %arg5: memref<2x10240xf32, #tpu.memory_space<hbm>>, %arg6: memref<125x80xi32, #tpu.memory_space<vmem>>, %arg7: memref<80xf32, #tpu.memory_space<vmem>>, %arg8: memref<10240xf32, #tpu.memory_space<vmem_shared>>, %arg9: memref<!tpu.dma_semaphore, #tpu.memory_space<semaphore_mem>>) attributes {dimension_semantics = [#tpu.dimension_semantics<core_parallel>, #tpu.dimension_semantics<subcore_parallel>], iteration_bounds = array<i64: 2, 16>, scalar_prefetch = 0 : i64, scratch_operands = 4 : i64, tpu.core_type = #tpu.core_type<sc_vector_subcore>, window_params = [{transform_indices = #map}, {transform_indices = #map1}, {transform_indices = #map1}, {transform_indices = #map2}]} {
    %mul3A = arith.constant 16 : i32
    %mul3A_0 = arith.muli %arg0, %mul3A : i32
    %add3A = arith.addi %mul3A_0, %arg1 : i32
    %mul3A_1 = arith.constant 640 : i32
    %mul3A_2 = arith.muli %arg1, %mul3A_1 : i32
    "tpu.region"() ({
      %run_scoped3A = tpu.sem_alloc : memref<!tpu.dma_semaphore, #tpu.memory_space<semaphore_mem>>
      %dma_start3A = tpu.memref_slice %arg8[%mul3A_2] : memref<10240xf32, #tpu.memory_space<vmem_shared>> -> memref<640xf32, #tpu.memory_space<vmem_shared>>
      tpu.enqueue_dma source(%arg4 : memref<640xf32, #tpu.memory_space<hbm>>) target(%dma_start3A : memref<640xf32, #tpu.memory_space<vmem_shared>>) target_semaphore(%run_scoped3A : memref<!tpu.dma_semaphore, #tpu.memory_space<semaphore_mem>>)
      %dma_wait3A = tpu.memref_slice %arg8[%mul3A_2] : memref<10240xf32, #tpu.memory_space<vmem_shared>> -> memref<640xf32, #tpu.memory_space<vmem_shared>>
      tpu.wait_dma2 semaphore(%run_scoped3A : memref<!tpu.dma_semaphore, #tpu.memory_space<semaphore_mem>>) src(%arg4 : memref<640xf32, #tpu.memory_space<hbm>>) dst(%dma_wait3A : memref<640xf32, #tpu.memory_space<vmem_shared>>)
      tpu.yield
    }) : () -> ()
    "tpu.region"() ({
      %run_scoped3A = tpu.sem_alloc : memref<!tpu.dma_semaphore, #tpu.memory_space<semaphore_mem>>
      tpu.enqueue_dma source(%arg3 : memref<80xf32, #tpu.memory_space<hbm>>) target(%arg7 : memref<80xf32, #tpu.memory_space<vmem>>) target_semaphore(%run_scoped3A : memref<!tpu.dma_semaphore, #tpu.memory_space<semaphore_mem>>)
      tpu.wait_dma2 semaphore(%run_scoped3A : memref<!tpu.dma_semaphore, #tpu.memory_space<semaphore_mem>>) src(%arg3 : memref<80xf32, #tpu.memory_space<hbm>>) dst(%arg7 : memref<80xf32, #tpu.memory_space<vmem>>)
      tpu.yield
    }) : () -> ()
    "tpu.region"() ({
      %run_scoped3A = tpu.sem_alloc : memref<!tpu.dma_semaphore, #tpu.memory_space<semaphore_mem>>
      %dma_start3A = arith.constant 0 : i32
      %dma_start3A_19 = arith.constant 0 : i32
      %dma_start3A_20 = tpu.memref_slice %arg2[%add3A, %dma_start3A, %dma_start3A_19] : memref<32x125x80xi32, #tpu.memory_space<hbm>> -> memref<1x125x80xi32, #tpu.memory_space<hbm>>
      %dma_start3A_21 = tpu.memref_squeeze %dma_start3A_20 : memref<1x125x80xi32, #tpu.memory_space<hbm>> -> memref<125x80xi32, #tpu.memory_space<hbm>>
      %dma_start3A_22 = arith.constant 0 : i32
      %dma_start3A_23 = arith.constant 0 : i32
      %dma_start3A_24 = tpu.memref_slice %arg2[%add3A, %dma_start3A_22, %dma_start3A_23] : memref<32x125x80xi32, #tpu.memory_space<hbm>> -> memref<1x125x80xi32, #tpu.memory_space<hbm>>
      %dma_start3A_25 = tpu.memref_squeeze %dma_start3A_24 : memref<1x125x80xi32, #tpu.memory_space<hbm>> -> memref<125x80xi32, #tpu.memory_space<hbm>>
      tpu.enqueue_dma source(%dma_start3A_25 : memref<125x80xi32, #tpu.memory_space<hbm>>) target(%arg6 : memref<125x80xi32, #tpu.memory_space<vmem>>) target_semaphore(%run_scoped3A : memref<!tpu.dma_semaphore, #tpu.memory_space<semaphore_mem>>)
      %dma_wait3A = arith.constant 0 : i32
      %dma_wait3A_26 = arith.constant 0 : i32
      %dma_wait3A_27 = tpu.memref_slice %arg2[%add3A, %dma_wait3A, %dma_wait3A_26] : memref<32x125x80xi32, #tpu.memory_space<hbm>> -> memref<1x125x80xi32, #tpu.memory_space<hbm>>
      %dma_wait3A_28 = tpu.memref_squeeze %dma_wait3A_27 : memref<1x125x80xi32, #tpu.memory_space<hbm>> -> memref<125x80xi32, #tpu.memory_space<hbm>>
      %dma_wait3A_29 = arith.constant 0 : i32
      %dma_wait3A_30 = arith.constant 0 : i32
      %dma_wait3A_31 = tpu.memref_slice %arg2[%add3A, %dma_wait3A_29, %dma_wait3A_30] : memref<32x125x80xi32, #tpu.memory_space<hbm>> -> memref<1x125x80xi32, #tpu.memory_space<hbm>>
      %dma_wait3A_32 = tpu.memref_squeeze %dma_wait3A_31 : memref<1x125x80xi32, #tpu.memory_space<hbm>> -> memref<125x80xi32, #tpu.memory_space<hbm>>
      tpu.wait_dma2 semaphore(%run_scoped3A : memref<!tpu.dma_semaphore, #tpu.memory_space<semaphore_mem>>) src(%dma_wait3A_32 : memref<125x80xi32, #tpu.memory_space<hbm>>) dst(%arg6 : memref<125x80xi32, #tpu.memory_space<vmem>>)
      tpu.yield
    }) : () -> ()
    %barrier3A = arith.constant 0 : index
    tpu.barrier barrier_id(%barrier3A)
    %scan3A = arith.constant 0 : i32
    %scan3A_3 = arith.constant 0 : i32
    %scan3A_4 = arith.constant 125 : i32
    %scan3A_5 = arith.addi %scan3A_3, %scan3A_4 : i32
    %scan3A_6 = arith.constant 1 : i32
    scf.for %scan3A_19 = %scan3A_3 to %scan3A_5 step %scan3A_6  : i32 {
      %dma_start3A = arith.constant 0 : i32
      %dma_start3A_20 = tpu.memref_slice %arg6[%scan3A_19, %dma_start3A] : memref<125x80xi32, #tpu.memory_space<vmem>> -> memref<1x80xi32, #tpu.memory_space<vmem>>
      %dma_start3A_21 = tpu.memref_squeeze %dma_start3A_20 : memref<1x80xi32, #tpu.memory_space<vmem>> -> memref<80xi32, #tpu.memory_space<vmem>>
      %dma_start3A_22 = arith.constant 0 : i32
      %dma_start3A_23 = tpu.memref_slice %arg8[%dma_start3A_22] : memref<10240xf32, #tpu.memory_space<vmem_shared>> -> memref<10240xf32, #tpu.memory_space<vmem_shared>>
      tpu.enqueue_indirect_dma source(%arg7 : memref<80xf32, #tpu.memory_space<vmem>>) target(%dma_start3A_23 : memref<10240xf32, #tpu.memory_space<vmem_shared>>) offsets(%dma_start3A_21 : memref<80xi32, #tpu.memory_space<vmem>>) semaphore(%arg9 : memref<!tpu.dma_semaphore, #tpu.memory_space<semaphore_mem>>) {add = true}
      %ge3A = arith.constant 8 : i32
      %ge3A_24 = arith.cmpi sge, %scan3A_19, %ge3A : i32
      %convert_element_type3A = arith.extui %ge3A_24 : i1 to i32
      %cond3A = arith.constant 0 : i32
      %cond3A_25 = arith.cmpi ne, %convert_element_type3A, %cond3A : i32
      scf.if %cond3A_25 {
        %sub3A = arith.constant 8 : i32
        %sub3A_26 = arith.subi %scan3A_19, %sub3A : i32
        %dma_wait3A = arith.constant 0 : i32
        %dma_wait3A_27 = tpu.memref_slice %arg6[%sub3A_26, %dma_wait3A] : memref<125x80xi32, #tpu.memory_space<vmem>> -> memref<1x80xi32, #tpu.memory_space<vmem>>
        %dma_wait3A_28 = tpu.memref_squeeze %dma_wait3A_27 : memref<1x80xi32, #tpu.memory_space<vmem>> -> memref<80xi32, #tpu.memory_space<vmem>>
        %dma_wait3A_29 = arith.constant 0 : i32
        %dma_wait3A_30 = tpu.memref_slice %arg8[%dma_wait3A_29] : memref<10240xf32, #tpu.memory_space<vmem_shared>> -> memref<10240xf32, #tpu.memory_space<vmem_shared>>
        tpu.wait_indirect_dma semaphore(%arg9 : memref<!tpu.dma_semaphore, #tpu.memory_space<semaphore_mem>>) src(%arg7 : memref<80xf32, #tpu.memory_space<vmem>>) dst(%dma_wait3A_30 : memref<10240xf32, #tpu.memory_space<vmem_shared>>)
      } else {
      }
    }
    %scan3A_7 = arith.constant 125 : i32
    %scan3A_8 = arith.constant 0 : i32
    %scan3A_9 = arith.constant 0 : i32
    %scan3A_10 = arith.constant 8 : i32
    %scan3A_11 = arith.addi %scan3A_9, %scan3A_10 : i32
    %scan3A_12 = arith.constant 1 : i32
    scf.for %scan3A_19 = %scan3A_9 to %scan3A_11 step %scan3A_12  : i32 {
      %add3A_20 = arith.constant 117 : i32
      %add3A_21 = arith.addi %add3A_20, %scan3A_19 : i32
      %dma_wait3A = arith.constant 0 : i32
      %dma_wait3A_22 = tpu.memref_slice %arg6[%add3A_21, %dma_wait3A] : memref<125x80xi32, #tpu.memory_space<vmem>> -> memref<1x80xi32, #tpu.memory_space<vmem>>
      %dma_wait3A_23 = tpu.memref_squeeze %dma_wait3A_22 : memref<1x80xi32, #tpu.memory_space<vmem>> -> memref<80xi32, #tpu.memory_space<vmem>>
      %dma_wait3A_24 = arith.constant 0 : i32
      %dma_wait3A_25 = tpu.memref_slice %arg8[%dma_wait3A_24] : memref<10240xf32, #tpu.memory_space<vmem_shared>> -> memref<10240xf32, #tpu.memory_space<vmem_shared>>
      tpu.wait_indirect_dma semaphore(%arg9 : memref<!tpu.dma_semaphore, #tpu.memory_space<semaphore_mem>>) src(%arg7 : memref<80xf32, #tpu.memory_space<vmem>>) dst(%dma_wait3A_25 : memref<10240xf32, #tpu.memory_space<vmem_shared>>)
    }
    %scan3A_13 = arith.constant 8 : i32
    %barrier3A_14 = arith.constant 0 : index
    tpu.barrier barrier_id(%barrier3A_14)
    %mul3A_15 = arith.constant 640 : i32
    %mul3A_16 = arith.muli %arg1, %mul3A_15 : i32
    %mul3A_17 = arith.constant 640 : i32
    %mul3A_18 = arith.muli %arg1, %mul3A_17 : i32
    "tpu.region"() ({
      %run_scoped3A = tpu.sem_alloc : memref<!tpu.dma_semaphore, #tpu.memory_space<semaphore_mem>>
      %dma_start3A = arith.constant 0 : i32
      %dma_start3A_19 = tpu.memref_slice %arg5[%arg0, %dma_start3A] : memref<2x10240xf32, #tpu.memory_space<hbm>> -> memref<1x10240xf32, #tpu.memory_space<hbm>>
      %dma_start3A_20 = tpu.memref_squeeze %dma_start3A_19 : memref<1x10240xf32, #tpu.memory_space<hbm>> -> memref<10240xf32, #tpu.memory_space<hbm>>
      %dma_start3A_21 = tpu.memref_slice %dma_start3A_20[%mul3A_18] : memref<10240xf32, #tpu.memory_space<hbm>> -> memref<640xf32, #tpu.memory_space<hbm>>
      %dma_start3A_22 = tpu.memref_slice %arg8[%mul3A_16] : memref<10240xf32, #tpu.memory_space<vmem_shared>> -> memref<640xf32, #tpu.memory_space<vmem_shared>>
      tpu.enqueue_dma source(%dma_start3A_22 : memref<640xf32, #tpu.memory_space<vmem_shared>>) target(%dma_start3A_21 : memref<640xf32, #tpu.memory_space<hbm>>) target_semaphore(%run_scoped3A : memref<!tpu.dma_semaphore, #tpu.memory_space<semaphore_mem>>)
      %dma_wait3A = arith.constant 0 : i32
      %dma_wait3A_23 = tpu.memref_slice %arg5[%arg0, %dma_wait3A] : memref<2x10240xf32, #tpu.memory_space<hbm>> -> memref<1x10240xf32, #tpu.memory_space<hbm>>
      %dma_wait3A_24 = tpu.memref_squeeze %dma_wait3A_23 : memref<1x10240xf32, #tpu.memory_space<hbm>> -> memref<10240xf32, #tpu.memory_space<hbm>>
      %dma_wait3A_25 = tpu.memref_slice %dma_wait3A_24[%mul3A_18] : memref<10240xf32, #tpu.memory_space<hbm>> -> memref<640xf32, #tpu.memory_space<hbm>>
      %dma_wait3A_26 = tpu.memref_slice %arg8[%mul3A_16] : memref<10240xf32, #tpu.memory_space<vmem_shared>> -> memref<640xf32, #tpu.memory_space<vmem_shared>>
      tpu.wait_dma2 semaphore(%run_scoped3A : memref<!tpu.dma_semaphore, #tpu.memory_space<semaphore_mem>>) src(%dma_wait3A_26 : memref<640xf32, #tpu.memory_space<vmem_shared>>) dst(%dma_wait3A_25 : memref<640xf32, #tpu.memory_space<hbm>>)
      tpu.yield
    }) : () -> ()
    return
  }
}

module attributes {stable_mosaic.version = 14 : i64} {
  func.func @_enc1_body(%arg0: i32, %arg1: memref<2000x5xf32, #tpu.memory_space<vmem>>, %arg2: memref<2000x1xf32, #tpu.memory_space<vmem>>, %arg3: memref<2000x768xf32, #tpu.memory_space<vmem>>, %arg4: memref<2000x768xf32, #tpu.memory_space<vmem>>, %arg5: memref<5x32xf32, #tpu.memory_space<vmem>>, %arg6: memref<32xf32, #tpu.memory_space<vmem>>, %arg7: memref<1x32xf32, #tpu.memory_space<vmem>>, %arg8: memref<32xf32, #tpu.memory_space<vmem>>, %arg9: memref<768x32xf32, #tpu.memory_space<vmem>>, %arg10: memref<32xf32, #tpu.memory_space<vmem>>, %arg11: memref<768x32xf32, #tpu.memory_space<vmem>>, %arg12: memref<32xf32, #tpu.memory_space<vmem>>, %arg13: memref<128x128xf32, #tpu.memory_space<vmem>>, %arg14: memref<128xf32, #tpu.memory_space<vmem>>, %arg15: memref<128x128xf32, #tpu.memory_space<vmem>>, %arg16: memref<2000x128xf32, #tpu.memory_space<vmem>>) attributes {dimension_semantics = [#tpu.dimension_semantics<arbitrary>], iteration_bounds = array<i64: 5>, scalar_prefetch = 0 : i64, scratch_operands = 0 : i64, tpu.core_type = #tpu.core_type<tc>, window_params = [{transform_indices = @transform_0, window_bounds = array<i64: 2000, 5>}, {transform_indices = @transform_1, window_bounds = array<i64: 2000, 1>}, {transform_indices = @transform_2, window_bounds = array<i64: 2000, 768>}, {transform_indices = @transform_3, window_bounds = array<i64: 2000, 768>}, {pipeline_mode = #tpu.pipeline_mode<synchronous>, transform_indices = @transform_4, window_bounds = array<i64: 5, 32>}, {pipeline_mode = #tpu.pipeline_mode<synchronous>, transform_indices = @transform_5, window_bounds = array<i64: 32>}, {pipeline_mode = #tpu.pipeline_mode<synchronous>, transform_indices = @transform_6, window_bounds = array<i64: 1, 32>}, {pipeline_mode = #tpu.pipeline_mode<synchronous>, transform_indices = @transform_7, window_bounds = array<i64: 32>}, {pipeline_mode = #tpu.pipeline_mode<synchronous>, transform_indices = @transform_8, window_bounds = array<i64: 768, 32>}, {pipeline_mode = #tpu.pipeline_mode<synchronous>, transform_indices = @transform_9, window_bounds = array<i64: 32>}, {pipeline_mode = #tpu.pipeline_mode<synchronous>, transform_indices = @transform_10, window_bounds = array<i64: 768, 32>}, {pipeline_mode = #tpu.pipeline_mode<synchronous>, transform_indices = @transform_11, window_bounds = array<i64: 32>}, {pipeline_mode = #tpu.pipeline_mode<synchronous>, transform_indices = @transform_12, window_bounds = array<i64: 128, 128>}, {pipeline_mode = #tpu.pipeline_mode<synchronous>, transform_indices = @transform_13, window_bounds = array<i64: 128>}, {pipeline_mode = #tpu.pipeline_mode<synchronous>, transform_indices = @transform_14, window_bounds = array<i64: 128, 128>}, {transform_indices = @transform_15, window_bounds = array<i64: 2000, 128>}]} {
    %get3A = arith.constant 0 : index
    %get3A_0 = arith.constant 0 : index
    %get3A_1 = vector.load %arg1[%get3A, %get3A_0] : memref<2000x5xf32, #tpu.memory_space<vmem>>, vector<2000x5xf32>
    %get3A_2 = arith.constant 0 : index
    %get3A_3 = arith.constant 0 : index
    %get3A_4 = vector.load %arg5[%get3A_2, %get3A_3] : memref<5x32xf32, #tpu.memory_space<vmem>>, vector<5x32xf32>
    %dot_general3A = arith.constant dense<0.000000e+00> : vector<2000x32xf32>
    %dot_general3A_5 = tpu.matmul %get3A_1, %get3A_4, %dot_general3A {dimension_numbers = #tpu.dot_dimension_numbers<[1], [0], [0], [1], [0, 0, 1, 1], [], []>, transpose_lhs_hint = false} : vector<2000x5xf32>, vector<5x32xf32>, vector<2000x32xf32> -> vector<2000x32xf32>
    %get3A_6 = arith.constant 0 : index
    %get3A_7 = vector.load %arg6[%get3A_6] : memref<32xf32, #tpu.memory_space<vmem>>, vector<32xf32>
    %broadcast_in_dim3A = vector.shape_cast %get3A_7 : vector<32xf32> to vector<1x32xf32>
    %add3A = vector.broadcast %broadcast_in_dim3A : vector<1x32xf32> to vector<2000x32xf32>
    %add3A_8 = arith.addf %dot_general3A_5, %add3A : vector<2000x32xf32>
    %ge3A = arith.constant 0.000000e+00 : f32
    %ge3A_9 = vector.broadcast %ge3A : f32 to vector<2000x32xf32>
    %ge3A_10 = arith.cmpf oge, %add3A_8, %ge3A_9 : vector<2000x32xf32>
    %mul3A = arith.constant 0.00999999977 : f32
    %mul3A_11 = vector.broadcast %mul3A : f32 to vector<2000x32xf32>
    %mul3A_12 = arith.mulf %mul3A_11, %add3A_8 : vector<2000x32xf32>
    %select_n3A = arith.select %ge3A_10, %add3A_8, %mul3A_12 : vector<2000x32xi1>, vector<2000x32xf32>
    %get3A_13 = arith.constant 0 : index
    %get3A_14 = arith.constant 0 : index
    %get3A_15 = vector.load %arg2[%get3A_13, %get3A_14] : memref<2000x1xf32, #tpu.memory_space<vmem>>, vector<2000x1xf32>
    %get3A_16 = arith.constant 0 : index
    %get3A_17 = arith.constant 0 : index
    %get3A_18 = vector.load %arg7[%get3A_16, %get3A_17] : memref<1x32xf32, #tpu.memory_space<vmem>>, vector<1x32xf32>
    %squeeze3A = vector.shape_cast %get3A_18 : vector<1x32xf32> to vector<32xf32>
    %broadcast_in_dim3A_19 = vector.shape_cast %squeeze3A : vector<32xf32> to vector<1x32xf32>
    %mul3A_20 = vector.broadcast %get3A_15 : vector<2000x1xf32> to vector<2000x32xf32>
    %mul3A_21 = vector.broadcast %broadcast_in_dim3A_19 : vector<1x32xf32> to vector<2000x32xf32>
    %mul3A_22 = arith.mulf %mul3A_20, %mul3A_21 : vector<2000x32xf32>
    %get3A_23 = arith.constant 0 : index
    %get3A_24 = vector.load %arg8[%get3A_23] : memref<32xf32, #tpu.memory_space<vmem>>, vector<32xf32>
    %broadcast_in_dim3A_25 = vector.shape_cast %get3A_24 : vector<32xf32> to vector<1x32xf32>
    %add3A_26 = vector.broadcast %broadcast_in_dim3A_25 : vector<1x32xf32> to vector<2000x32xf32>
    %add3A_27 = arith.addf %mul3A_22, %add3A_26 : vector<2000x32xf32>
    %ge3A_28 = arith.constant 0.000000e+00 : f32
    %ge3A_29 = vector.broadcast %ge3A_28 : f32 to vector<2000x32xf32>
    %ge3A_30 = arith.cmpf oge, %add3A_27, %ge3A_29 : vector<2000x32xf32>
    %mul3A_31 = arith.constant 0.00999999977 : f32
    %mul3A_32 = vector.broadcast %mul3A_31 : f32 to vector<2000x32xf32>
    %mul3A_33 = arith.mulf %mul3A_32, %add3A_27 : vector<2000x32xf32>
    %select_n3A_34 = arith.select %ge3A_30, %add3A_27, %mul3A_33 : vector<2000x32xi1>, vector<2000x32xf32>
    %get3A_35 = arith.constant 0 : index
    %get3A_36 = arith.constant 0 : index
    %get3A_37 = vector.load %arg3[%get3A_35, %get3A_36] : memref<2000x768xf32, #tpu.memory_space<vmem>>, vector<2000x768xf32>
    %get3A_38 = arith.constant 0 : index
    %get3A_39 = arith.constant 0 : index
    %get3A_40 = vector.load %arg9[%get3A_38, %get3A_39] : memref<768x32xf32, #tpu.memory_space<vmem>>, vector<768x32xf32>
    %dot_general3A_41 = arith.constant dense<0.000000e+00> : vector<2000x32xf32>
    %dot_general3A_42 = tpu.matmul %get3A_37, %get3A_40, %dot_general3A_41 {dimension_numbers = #tpu.dot_dimension_numbers<[1], [0], [0], [1], [0, 0, 1, 1], [], []>, transpose_lhs_hint = false} : vector<2000x768xf32>, vector<768x32xf32>, vector<2000x32xf32> -> vector<2000x32xf32>
    %get3A_43 = arith.constant 0 : index
    %get3A_44 = vector.load %arg10[%get3A_43] : memref<32xf32, #tpu.memory_space<vmem>>, vector<32xf32>
    %broadcast_in_dim3A_45 = vector.shape_cast %get3A_44 : vector<32xf32> to vector<1x32xf32>
    %add3A_46 = vector.broadcast %broadcast_in_dim3A_45 : vector<1x32xf32> to vector<2000x32xf32>
    %add3A_47 = arith.addf %dot_general3A_42, %add3A_46 : vector<2000x32xf32>
    %ge3A_48 = arith.constant 0.000000e+00 : f32
    %ge3A_49 = vector.broadcast %ge3A_48 : f32 to vector<2000x32xf32>
    %ge3A_50 = arith.cmpf oge, %add3A_47, %ge3A_49 : vector<2000x32xf32>
    %mul3A_51 = arith.constant 0.00999999977 : f32
    %mul3A_52 = vector.broadcast %mul3A_51 : f32 to vector<2000x32xf32>
    %mul3A_53 = arith.mulf %mul3A_52, %add3A_47 : vector<2000x32xf32>
    %select_n3A_54 = arith.select %ge3A_50, %add3A_47, %mul3A_53 : vector<2000x32xi1>, vector<2000x32xf32>
    %get3A_55 = arith.constant 0 : index
    %get3A_56 = arith.constant 0 : index
    %get3A_57 = vector.load %arg4[%get3A_55, %get3A_56] : memref<2000x768xf32, #tpu.memory_space<vmem>>, vector<2000x768xf32>
    %get3A_58 = arith.constant 0 : index
    %get3A_59 = arith.constant 0 : index
    %get3A_60 = vector.load %arg11[%get3A_58, %get3A_59] : memref<768x32xf32, #tpu.memory_space<vmem>>, vector<768x32xf32>
    %dot_general3A_61 = arith.constant dense<0.000000e+00> : vector<2000x32xf32>
    %dot_general3A_62 = tpu.matmul %get3A_57, %get3A_60, %dot_general3A_61 {dimension_numbers = #tpu.dot_dimension_numbers<[1], [0], [0], [1], [0, 0, 1, 1], [], []>, transpose_lhs_hint = false} : vector<2000x768xf32>, vector<768x32xf32>, vector<2000x32xf32> -> vector<2000x32xf32>
    %get3A_63 = arith.constant 0 : index
    %get3A_64 = vector.load %arg12[%get3A_63] : memref<32xf32, #tpu.memory_space<vmem>>, vector<32xf32>
    %broadcast_in_dim3A_65 = vector.shape_cast %get3A_64 : vector<32xf32> to vector<1x32xf32>
    %add3A_66 = vector.broadcast %broadcast_in_dim3A_65 : vector<1x32xf32> to vector<2000x32xf32>
    %add3A_67 = arith.addf %dot_general3A_62, %add3A_66 : vector<2000x32xf32>
    %ge3A_68 = arith.constant 0.000000e+00 : f32
    %ge3A_69 = vector.broadcast %ge3A_68 : f32 to vector<2000x32xf32>
    %ge3A_70 = arith.cmpf oge, %add3A_67, %ge3A_69 : vector<2000x32xf32>
    %mul3A_71 = arith.constant 0.00999999977 : f32
    %mul3A_72 = vector.broadcast %mul3A_71 : f32 to vector<2000x32xf32>
    %mul3A_73 = arith.mulf %mul3A_72, %add3A_67 : vector<2000x32xf32>
    %select_n3A_74 = arith.select %ge3A_70, %add3A_67, %mul3A_73 : vector<2000x32xi1>, vector<2000x32xf32>
    %concatenate3A = tpu.concatenate %select_n3A, %select_n3A_34, %select_n3A_54, %select_n3A_74 in 1 : vector<2000x32xf32>, vector<2000x32xf32>, vector<2000x32xf32>, vector<2000x32xf32> -> vector<2000x128xf32>
    %get3A_75 = arith.constant 0 : index
    %get3A_76 = arith.constant 0 : index
    %get3A_77 = vector.load %arg13[%get3A_75, %get3A_76] : memref<128x128xf32, #tpu.memory_space<vmem>>, vector<128x128xf32>
    %dot_general3A_78 = arith.constant dense<0.000000e+00> : vector<2000x128xf32>
    %dot_general3A_79 = tpu.matmul %concatenate3A, %get3A_77, %dot_general3A_78 {dimension_numbers = #tpu.dot_dimension_numbers<[1], [0], [0], [1], [0, 0, 1, 1], [], []>, transpose_lhs_hint = false} : vector<2000x128xf32>, vector<128x128xf32>, vector<2000x128xf32> -> vector<2000x128xf32>
    %get3A_80 = arith.constant 0 : index
    %get3A_81 = vector.load %arg14[%get3A_80] : memref<128xf32, #tpu.memory_space<vmem>>, vector<128xf32>
    %broadcast_in_dim3A_82 = vector.shape_cast %get3A_81 : vector<128xf32> to vector<1x128xf32>
    %add3A_83 = vector.broadcast %broadcast_in_dim3A_82 : vector<1x128xf32> to vector<2000x128xf32>
    %add3A_84 = arith.addf %dot_general3A_79, %add3A_83 : vector<2000x128xf32>
    %ge3A_85 = arith.constant 0.000000e+00 : f32
    %ge3A_86 = vector.broadcast %ge3A_85 : f32 to vector<2000x128xf32>
    %ge3A_87 = arith.cmpf oge, %add3A_84, %ge3A_86 : vector<2000x128xf32>
    %mul3A_88 = arith.constant 0.00999999977 : f32
    %mul3A_89 = vector.broadcast %mul3A_88 : f32 to vector<2000x128xf32>
    %mul3A_90 = arith.mulf %mul3A_89, %add3A_84 : vector<2000x128xf32>
    %select_n3A_91 = arith.select %ge3A_87, %add3A_84, %mul3A_90 : vector<2000x128xi1>, vector<2000x128xf32>
    %get3A_92 = arith.constant 0 : index
    %get3A_93 = arith.constant 0 : index
    %get3A_94 = vector.load %arg15[%get3A_92, %get3A_93] : memref<128x128xf32, #tpu.memory_space<vmem>>, vector<128x128xf32>
    %dot_general3A_95 = arith.constant dense<0.000000e+00> : vector<2000x128xf32>
    %dot_general3A_96 = tpu.matmul %select_n3A_91, %get3A_94, %dot_general3A_95 {dimension_numbers = #tpu.dot_dimension_numbers<[1], [0], [0], [1], [0, 0, 1, 1], [], []>, transpose_lhs_hint = false} : vector<2000x128xf32>, vector<128x128xf32>, vector<2000x128xf32> -> vector<2000x128xf32>
    %swap3A = arith.constant 0 : index
    %swap3A_97 = arith.constant 0 : index
    %swap3A_98 = vector.load %arg16[%swap3A, %swap3A_97] : memref<2000x128xf32, #tpu.memory_space<vmem>>, vector<2000x128xf32>
    tpu.vector_store %arg16[%swap3A, %swap3A_97], %dot_general3A_96 {strides = array<i32>} : memref<2000x128xf32, #tpu.memory_space<vmem>>, vector<2000x128xf32>,
    return
  }
  func.func @transform_0(%arg0: i32) -> (i32, i32) {
    %c0_i32 = arith.constant 0 : i32
    %c0_i32_0 = arith.constant 0 : i32
    return %arg0, %c0_i32 : i32, i32
  }
  func.func @transform_1(%arg0: i32) -> (i32, i32) {
    %c0_i32 = arith.constant 0 : i32
    %c0_i32_0 = arith.constant 0 : i32
    return %arg0, %c0_i32 : i32, i32
  }
  func.func @transform_2(%arg0: i32) -> (i32, i32) {
    %c0_i32 = arith.constant 0 : i32
    %c0_i32_0 = arith.constant 0 : i32
    return %arg0, %c0_i32 : i32, i32
  }
  func.func @transform_3(%arg0: i32) -> (i32, i32) {
    %c0_i32 = arith.constant 0 : i32
    %c0_i32_0 = arith.constant 0 : i32
    return %arg0, %c0_i32 : i32, i32
  }
  func.func @transform_4(%arg0: i32) -> (i32, i32) {
    %c0_i32 = arith.constant 0 : i32
    %c0_i32_0 = arith.constant 0 : i32
    %c0_i32_1 = arith.constant 0 : i32
    return %c0_i32, %c0_i32_0 : i32, i32
  }
  func.func @transform_5(%arg0: i32) -> i32 {
    %c0_i32 = arith.constant 0 : i32
    %c0_i32_0 = arith.constant 0 : i32
    return %c0_i32 : i32
  }
  func.func @transform_6(%arg0: i32) -> (i32, i32) {
    %c0_i32 = arith.constant 0 : i32
    %c0_i32_0 = arith.constant 0 : i32
    %c0_i32_1 = arith.constant 0 : i32
    return %c0_i32, %c0_i32_0 : i32, i32
  }
  func.func @transform_7(%arg0: i32) -> i32 {
    %c0_i32 = arith.constant 0 : i32
    %c0_i32_0 = arith.constant 0 : i32
    return %c0_i32 : i32
  }
  func.func @transform_8(%arg0: i32) -> (i32, i32) {
    %c0_i32 = arith.constant 0 : i32
    %c0_i32_0 = arith.constant 0 : i32
    %c0_i32_1 = arith.constant 0 : i32
    return %c0_i32, %c0_i32_0 : i32, i32
  }
  func.func @transform_9(%arg0: i32) -> i32 {
    %c0_i32 = arith.constant 0 : i32
    %c0_i32_0 = arith.constant 0 : i32
    return %c0_i32 : i32
  }
  func.func @transform_10(%arg0: i32) -> (i32, i32) {
    %c0_i32 = arith.constant 0 : i32
    %c0_i32_0 = arith.constant 0 : i32
    %c0_i32_1 = arith.constant 0 : i32
    return %c0_i32, %c0_i32_0 : i32, i32
  }
  func.func @transform_11(%arg0: i32) -> i32 {
    %c0_i32 = arith.constant 0 : i32
    %c0_i32_0 = arith.constant 0 : i32
    return %c0_i32 : i32
  }
  func.func @transform_12(%arg0: i32) -> (i32, i32) {
    %c0_i32 = arith.constant 0 : i32
    %c0_i32_0 = arith.constant 0 : i32
    %c0_i32_1 = arith.constant 0 : i32
    return %c0_i32, %c0_i32_0 : i32, i32
  }
  func.func @transform_13(%arg0: i32) -> i32 {
    %c0_i32 = arith.constant 0 : i32
    %c0_i32_0 = arith.constant 0 : i32
    return %c0_i32 : i32
  }
  func.func @transform_14(%arg0: i32) -> (i32, i32) {
    %c0_i32 = arith.constant 0 : i32
    %c0_i32_0 = arith.constant 0 : i32
    %c0_i32_1 = arith.constant 0 : i32
    return %c0_i32, %c0_i32_0 : i32, i32
  }
  func.func @transform_15(%arg0: i32) -> (i32, i32) {
    %c0_i32 = arith.constant 0 : i32
    %c0_i32_0 = arith.constant 0 : i32
    return %arg0, %c0_i32 : i32, i32
  }
}

module attributes {stable_mosaic.version = 14 : i64} {
  func.func @_enc2_body(%arg0: i32, %arg1: memref<1000x128xf32, #tpu.memory_space<vmem>>, %arg2: memref<1000x1xf32, #tpu.memory_space<vmem>>, %arg3: memref<1000x128xf32, #tpu.memory_space<vmem>>, %arg4: memref<1000x1xf32, #tpu.memory_space<vmem>>) attributes {dimension_semantics = [#tpu.dimension_semantics<arbitrary>], iteration_bounds = array<i64: 10>, scalar_prefetch = 0 : i64, scratch_operands = 0 : i64, tpu.core_type = #tpu.core_type<tc>, window_params = [{transform_indices = @transform_0, window_bounds = array<i64: 1000, 128>}, {transform_indices = @transform_1, window_bounds = array<i64: 1000, 1>}, {transform_indices = @transform_2, window_bounds = array<i64: 1000, 128>}, {transform_indices = @transform_3, window_bounds = array<i64: 1000, 1>}]} {
    %get3A = arith.constant 0 : index
    %get3A_0 = arith.constant 0 : index
    %get3A_1 = vector.load %arg2[%get3A, %get3A_0] : memref<1000x1xf32, #tpu.memory_space<vmem>>, vector<1000x1xf32>
    %rsqrt3A = math.rsqrt %get3A_1 : vector<1000x1xf32>
    %get3A_2 = arith.constant 0 : index
    %get3A_3 = arith.constant 0 : index
    %get3A_4 = vector.load %arg1[%get3A_2, %get3A_3] : memref<1000x128xf32, #tpu.memory_space<vmem>>, vector<1000x128xf32>
    %mul3A = vector.broadcast %rsqrt3A : vector<1000x1xf32> to vector<1000x128xf32>
    %mul3A_5 = arith.mulf %get3A_4, %mul3A : vector<1000x128xf32>
    %swap3A = arith.constant 0 : index
    %swap3A_6 = arith.constant 0 : index
    %swap3A_7 = vector.load %arg3[%swap3A, %swap3A_6] : memref<1000x128xf32, #tpu.memory_space<vmem>>, vector<1000x128xf32>
    tpu.vector_store %arg3[%swap3A, %swap3A_6], %mul3A_5 {strides = array<i32>} : memref<1000x128xf32, #tpu.memory_space<vmem>>, vector<1000x128xf32>,
    %swap3A_8 = arith.constant 0 : index
    %swap3A_9 = arith.constant 0 : index
    %swap3A_10 = vector.load %arg4[%swap3A_8, %swap3A_9] : memref<1000x1xf32, #tpu.memory_space<vmem>>, vector<1000x1xf32>
    tpu.vector_store %arg4[%swap3A_8, %swap3A_9], %rsqrt3A {strides = array<i32>} : memref<1000x1xf32, #tpu.memory_space<vmem>>, vector<1000x1xf32>,
    return
  }
  func.func @transform_0(%arg0: i32) -> (i32, i32) {
    %c0_i32 = arith.constant 0 : i32
    %c0_i32_0 = arith.constant 0 : i32
    return %arg0, %c0_i32 : i32, i32
  }
  func.func @transform_1(%arg0: i32) -> (i32, i32) {
    %c0_i32 = arith.constant 0 : i32
    %c0_i32_0 = arith.constant 0 : i32
    return %arg0, %c0_i32 : i32, i32
  }
  func.func @transform_2(%arg0: i32) -> (i32, i32) {
    %c0_i32 = arith.constant 0 : i32
    %c0_i32_0 = arith.constant 0 : i32
    return %arg0, %c0_i32 : i32, i32
  }
  func.func @transform_3(%arg0: i32) -> (i32, i32) {
    %c0_i32 = arith.constant 0 : i32
    %c0_i32_0 = arith.constant 0 : i32
    return %arg0, %c0_i32 : i32, i32
  }
}

module attributes {stable_mosaic.version = 14 : i64} {
  func.func @_fin_body(%arg0: i32, %arg1: memref<1x1000x128xf32, #tpu.memory_space<vmem>>, %arg2: memref<1x1000x128xf32, #tpu.memory_space<vmem>>, %arg3: memref<1000x128xf32, #tpu.memory_space<vmem>>, %arg4: memref<1000x1xf32, #tpu.memory_space<vmem>>, %arg5: memref<128xf32, #tpu.memory_space<vmem>>, %arg6: memref<128x64xf32, #tpu.memory_space<vmem>>, %arg7: memref<64xf32, #tpu.memory_space<vmem>>, %arg8: memref<64x2xf32, #tpu.memory_space<vmem>>, %arg9: memref<2xf32, #tpu.memory_space<vmem>>, %arg10: memref<1000x2xf32, #tpu.memory_space<vmem>>) attributes {dimension_semantics = [#tpu.dimension_semantics<arbitrary>], iteration_bounds = array<i64: 10>, scalar_prefetch = 0 : i64, scratch_operands = 0 : i64, tpu.core_type = #tpu.core_type<tc>, window_params = [{transform_indices = @transform_0, window_bounds = array<i64: 1, 1000, 128>}, {transform_indices = @transform_1, window_bounds = array<i64: 1, 1000, 128>}, {transform_indices = @transform_2, window_bounds = array<i64: 1000, 128>}, {transform_indices = @transform_3, window_bounds = array<i64: 1000, 1>}, {pipeline_mode = #tpu.pipeline_mode<synchronous>, transform_indices = @transform_4, window_bounds = array<i64: 128>}, {pipeline_mode = #tpu.pipeline_mode<synchronous>, transform_indices = @transform_5, window_bounds = array<i64: 128, 64>}, {pipeline_mode = #tpu.pipeline_mode<synchronous>, transform_indices = @transform_6, window_bounds = array<i64: 64>}, {pipeline_mode = #tpu.pipeline_mode<synchronous>, transform_indices = @transform_7, window_bounds = array<i64: 64, 2>}, {pipeline_mode = #tpu.pipeline_mode<synchronous>, transform_indices = @transform_8, window_bounds = array<i64: 2>}, {transform_indices = @transform_9, window_bounds = array<i64: 1000, 2>}]} {
    %get3A = arith.constant 0 : index
    %get3A_0 = arith.constant 0 : index
    %get3A_1 = arith.constant 0 : index
    %get3A_2 = vector.load %arg1[%get3A, %get3A_0, %get3A_1] : memref<1x1000x128xf32, #tpu.memory_space<vmem>>, vector<1x1000x128xf32>
    %get3A_3 = vector.shape_cast %get3A_2 : vector<1x1000x128xf32> to vector<1000x128xf32>
    %get3A_4 = arith.constant 0 : index
    %get3A_5 = arith.constant 0 : index
    %get3A_6 = arith.constant 0 : index
    %get3A_7 = vector.load %arg2[%get3A_4, %get3A_5, %get3A_6] : memref<1x1000x128xf32, #tpu.memory_space<vmem>>, vector<1x1000x128xf32>
    %get3A_8 = vector.shape_cast %get3A_7 : vector<1x1000x128xf32> to vector<1000x128xf32>
    %add3A = arith.addf %get3A_3, %get3A_8 : vector<1000x128xf32>
    %get3A_9 = arith.constant 0 : index
    %get3A_10 = arith.constant 0 : index
    %get3A_11 = vector.load %arg3[%get3A_9, %get3A_10] : memref<1000x128xf32, #tpu.memory_space<vmem>>, vector<1000x128xf32>
    %add3A_12 = arith.addf %add3A, %get3A_11 : vector<1000x128xf32>
    %get3A_13 = arith.constant 0 : index
    %get3A_14 = arith.constant 0 : index
    %get3A_15 = vector.load %arg4[%get3A_13, %get3A_14] : memref<1000x1xf32, #tpu.memory_space<vmem>>, vector<1000x1xf32>
    %mul3A = vector.broadcast %get3A_15 : vector<1000x1xf32> to vector<1000x128xf32>
    %mul3A_16 = arith.mulf %add3A_12, %mul3A : vector<1000x128xf32>
    %get3A_17 = arith.constant 0 : index
    %get3A_18 = vector.load %arg5[%get3A_17] : memref<128xf32, #tpu.memory_space<vmem>>, vector<128xf32>
    %broadcast_in_dim3A = vector.shape_cast %get3A_18 : vector<128xf32> to vector<1x128xf32>
    %add3A_19 = vector.broadcast %broadcast_in_dim3A : vector<1x128xf32> to vector<1000x128xf32>
    %add3A_20 = arith.addf %mul3A_16, %add3A_19 : vector<1000x128xf32>
    %get3A_21 = arith.constant 0 : index
    %get3A_22 = arith.constant 0 : index
    %get3A_23 = vector.load %arg6[%get3A_21, %get3A_22] : memref<128x64xf32, #tpu.memory_space<vmem>>, vector<128x64xf32>
    %dot_general3A = arith.constant dense<0.000000e+00> : vector<1000x64xf32>
    %dot_general3A_24 = tpu.matmul %add3A_20, %get3A_23, %dot_general3A {dimension_numbers = #tpu.dot_dimension_numbers<[1], [0], [0], [1], [0, 0, 1, 1], [], []>, transpose_lhs_hint = false} : vector<1000x128xf32>, vector<128x64xf32>, vector<1000x64xf32> -> vector<1000x64xf32>
    %get3A_25 = arith.constant 0 : index
    %get3A_26 = vector.load %arg7[%get3A_25] : memref<64xf32, #tpu.memory_space<vmem>>, vector<64xf32>
    %broadcast_in_dim3A_27 = vector.shape_cast %get3A_26 : vector<64xf32> to vector<1x64xf32>
    %add3A_28 = vector.broadcast %broadcast_in_dim3A_27 : vector<1x64xf32> to vector<1000x64xf32>
    %add3A_29 = arith.addf %dot_general3A_24, %add3A_28 : vector<1000x64xf32>
    %ge3A = arith.constant 0.000000e+00 : f32
    %ge3A_30 = vector.broadcast %ge3A : f32 to vector<1000x64xf32>
    %ge3A_31 = arith.cmpf oge, %add3A_29, %ge3A_30 : vector<1000x64xf32>
    %mul3A_32 = arith.constant 0.00999999977 : f32
    %mul3A_33 = vector.broadcast %mul3A_32 : f32 to vector<1000x64xf32>
    %mul3A_34 = arith.mulf %mul3A_33, %add3A_29 : vector<1000x64xf32>
    %select_n3A = arith.select %ge3A_31, %add3A_29, %mul3A_34 : vector<1000x64xi1>, vector<1000x64xf32>
    %get3A_35 = arith.constant 0 : index
    %get3A_36 = arith.constant 0 : index
    %get3A_37 = vector.load %arg8[%get3A_35, %get3A_36] : memref<64x2xf32, #tpu.memory_space<vmem>>, vector<64x2xf32>
    %dot_general3A_38 = arith.constant dense<0.000000e+00> : vector<1000x2xf32>
    %dot_general3A_39 = tpu.matmul %select_n3A, %get3A_37, %dot_general3A_38 {dimension_numbers = #tpu.dot_dimension_numbers<[1], [0], [0], [1], [0, 0, 1, 1], [], []>, transpose_lhs_hint = false} : vector<1000x64xf32>, vector<64x2xf32>, vector<1000x2xf32> -> vector<1000x2xf32>
    %get3A_40 = arith.constant 0 : index
    %get3A_41 = vector.load %arg9[%get3A_40] : memref<2xf32, #tpu.memory_space<vmem>>, vector<2xf32>
    %broadcast_in_dim3A_42 = vector.shape_cast %get3A_41 : vector<2xf32> to vector<1x2xf32>
    %add3A_43 = vector.broadcast %broadcast_in_dim3A_42 : vector<1x2xf32> to vector<1000x2xf32>
    %add3A_44 = arith.addf %dot_general3A_39, %add3A_43 : vector<1000x2xf32>
    %swap3A = arith.constant 0 : index
    %swap3A_45 = arith.constant 0 : index
    %swap3A_46 = vector.load %arg10[%swap3A, %swap3A_45] : memref<1000x2xf32, #tpu.memory_space<vmem>>, vector<1000x2xf32>
    tpu.vector_store %arg10[%swap3A, %swap3A_45], %add3A_44 {strides = array<i32>} : memref<1000x2xf32, #tpu.memory_space<vmem>>, vector<1000x2xf32>,
    return
  }
  func.func @transform_0(%arg0: i32) -> (i32, i32, i32) {
    %c0_i32 = arith.constant 0 : i32
    %c0_i32_0 = arith.constant 0 : i32
    %c0_i32_1 = arith.constant 0 : i32
    return %c0_i32, %arg0, %c0_i32_0 : i32, i32, i32
  }
  func.func @transform_1(%arg0: i32) -> (i32, i32, i32) {
    %c1_i32 = arith.constant 1 : i32
    %c0_i32 = arith.constant 0 : i32
    %c0_i32_0 = arith.constant 0 : i32
    return %c1_i32, %arg0, %c0_i32 : i32, i32, i32
  }
  func.func @transform_2(%arg0: i32) -> (i32, i32) {
    %c0_i32 = arith.constant 0 : i32
    %c0_i32_0 = arith.constant 0 : i32
    return %arg0, %c0_i32 : i32, i32
  }
  func.func @transform_3(%arg0: i32) -> (i32, i32) {
    %c0_i32 = arith.constant 0 : i32
    %c0_i32_0 = arith.constant 0 : i32
    return %arg0, %c0_i32 : i32, i32
  }
  func.func @transform_4(%arg0: i32) -> i32 {
    %c0_i32 = arith.constant 0 : i32
    %c0_i32_0 = arith.constant 0 : i32
    return %c0_i32 : i32
  }
  func.func @transform_5(%arg0: i32) -> (i32, i32) {
    %c0_i32 = arith.constant 0 : i32
    %c0_i32_0 = arith.constant 0 : i32
    %c0_i32_1 = arith.constant 0 : i32
    return %c0_i32, %c0_i32_0 : i32, i32
  }
  func.func @transform_6(%arg0: i32) -> i32 {
    %c0_i32 = arith.constant 0 : i32
    %c0_i32_0 = arith.constant 0 : i32
    return %c0_i32 : i32
  }
  func.func @transform_7(%arg0: i32) -> (i32, i32) {
    %c0_i32 = arith.constant 0 : i32
    %c0_i32_0 = arith.constant 0 : i32
    %c0_i32_1 = arith.constant 0 : i32
    return %c0_i32, %c0_i32_0 : i32, i32
  }
  func.func @transform_8(%arg0: i32) -> i32 {
    %c0_i32 = arith.constant 0 : i32
    %c0_i32_0 = arith.constant 0 : i32
    return %c0_i32 : i32
  }
  func.func @transform_9(%arg0: i32) -> (i32, i32) {
    %c0_i32 = arith.constant 0 : i32
    %c0_i32_0 = arith.constant 0 : i32
    return %arg0, %c0_i32 : i32, i32
  }
}

</mosaic_0001>

<sc_bundles>
// kernel: kernel.10.cloned.1.call-start
scs
__scs_entry_jumppad:
0x0: {  	(pc) =	sbr.rel $0x88, $3  }
0x1: {  	(tag) =	ssettag $0x0;
	lr =	simm.s32 $0x1  }
0x2: {  	[smem:$0x3F8C] =	sst lr;
	_ =	strace $0xD0000000  }
0x3: {  	_ = 	snop  }
0x4: {  	_ = 	snop  }
0x5: {  	_ = 	snop  }
0x6: {  	_ = 	snop  }
0x7: {  	_ = 	snop  }
__scs_overlays_trampoline_lowered:
0x8: {  	[smem:$0x3F9B] =	sst s0  }
0x9: {  	[smem:$0x3F9C] =	sst s1  }
0xa: {  	[smem:$0x3F9D] =	sst s2  }
0xb: {  	[smem:$0x3F9E] =	sst s3  }
0xc: {  	[smem:$0x3F9F] =	sst s4  }
0xd: {  	[smem:$0x3FA0] =	sst s5  }
0xe: {  	[smem:$0x3FA1] =	sst s6  }
0xf: {  	[smem:$0x3FA2] =	sst s7  }
0x10: {  	[smem:$0x3FA3] =	sst s8  }
0x11: {  	[smem:$0x3FA4] =	sst s9;
	s0 =	simm.s32 @!p0 $0x0  }
0x12: {  	s1 =	sld [smem:$0x3F8A];
	s0 =	simm.s32 @p0 $0x1  }
0x13: {  	[smem:$0x3FA5] =	sst s0;
	s0 =	simm.s32 @!p1 $0x0  }
0x14: {  	s2 =	sld [smem:$0x3F89];
	s0 =	simm.s32 @p1 $0x1  }
0x15: {  	[smem:$0x3FA6] =	sst s0;
	s0 =	simm.s32 @!p2 $0x0  }
0x16: {  	s3 =	sld [smem:$0x3FDB];
	s0 =	simm.s32 @p2 $0x1  }
0x17: {  	s4 =	simm.s32 $0x1BF5;
	[smem:$0x3FA8] =	sst s0  }
0x18: {  	s0 =	sld [smem:$0x3F8B];
	_ =	swait.ge [sflag:s4], $0x0  }
0x19: {  	s7 =	sld [smem:$0x3F8C]  }
0x1a: {  	s8 =	sadd.s32 $0xFFFFE003, lr  }
0x1b: {  	s9 =	sadd.s32 $0xFFFFFEF7, lr;
	s5 =	simm.s32 $0xFFFFFFFF;
	p2 =	slt.u32 s8, $0xFFFFF086  }
0x1c: {  	p1 =	slt.u32 s9, $0xF7A;
	s5 =	simm.s32 @!p2 $0x0  }
0x1d: {  	s5 =	simm.s32 @p1 $0x1;
	p0 =	seq.s32 s7, s2  }
0x1e: {  	s7 =	smul.u32 @!p0 $0xF7A, s2;
	p2 =	seq.s32 @!p0 s5, $0x0  }
0x1f: {  	s9 =	smul.u32 $0xF7A, s1;
	s8 =	simm.s32 @!p0 $0x1BF5;
	p2 =	por !p2, p0  }
0x20: {  	[sflag:s8] =	ssyncset.s32 @!p0 $0xFFFFF086;
	s6 =	sadd.s32 @!p0 s3, s7;
	s7 =	simm.s32 @!p0 $0x108  }
0x21: {  	s3 =	sadd.s32 s3, s9;
	s6 =	sadd.s32 @!p0 $0x88, s6;
	s7 =	simm.s32 @p2 $0x1082  }
0x22: {  	[simem:s7], [sflag:s8] =	dma.local @!p0 [hbm:s6], $0xF7A  }
0x23: {  	s9 =	sor.u32 $0xD0000000, s2;
	s6 =	simm.s32 $0x108;
	_ =	swait.ge @!p0 [sflag:s8], $0x0  }
0x24: {  	s3 =	sadd.s32 $0x88, s3;
	s6 =	simm.s32 @!p1 $0x1082;
	[sflag:s4] =	ssyncset.s32 $0xFFFFF086  }
0x25: {  	[simem:s6], [sflag:s4] =	dma.local [hbm:s3], $0xF7A  }
0x26: {  	[smem:$0x3F8C] =	sst s1;
	(tag) =	ssettag s2;
	_ =	strace s9  }
0x27: {  	s1 =	sld [smem:$0x3F9C]  }
0x28: {  	s2 =	sld [smem:$0x3F9D]  }
0x29: {  	s4 =	sld [smem:$0x3F9F]  }
0x2a: {  	p0 =	seq.s32 s5, $0x0;
	s5 =	sld [smem:$0x3FA0]  }
0x2b: {  	s6 =	sld [smem:$0x3FA1]  }
0x2c: {  	s7 =	sld [smem:$0x3FA2]  }
0x2d: {  	s3 =	simm.s32 $0x108;
	s8 =	sld [smem:$0x3FA3]  }
0x2e: {  	s3 =	simm.s32 @!p0 $0x1082;
	s9 =	sld [smem:$0x3FA4]  }
0x2f: {  	lr =	sadd.s32 s0, s3;
	s0 =	sld [smem:$0x3F9B]  }
0x30: {  	s3 =	sld [smem:$0x3F9E]  }
0x31: {  	[smem:$0x3FA7] =	sst s10  }
0x32: {  	s10 =	sld [smem:$0x3FA5];
	_ =	sdelay $0x3  }
0x33: {  	p0 =	seq.s32 s10, $0x1;
	s10 =	sld [smem:$0x3FA7];
	_ =	sdelay $0x3  }
0x34: {  	[smem:$0x3FA7] =	sst s10  }
0x35: {  	s10 =	sld [smem:$0x3FA6];
	_ =	sdelay $0x3  }
0x36: {  	p1 =	seq.s32 s10, $0x1;
	s10 =	sld [smem:$0x3FA7];
	_ =	sdelay $0x3  }
0x37: {  	[smem:$0x3FA7] =	sst s10  }
0x38: {  	s10 =	sld [smem:$0x3FA8]  }
0x39: {  	_ = 	snop;
	(pc) =	sbr.ind lr, $3  }
0x3a: {  	_ = 	snop  }
0x3b: {  	_ = 	snop  }
0x3c: {  	p2 =	seq.s32 s10, $0x1;
	s10 =	sld [smem:$0x3FA7]  }
0x3d: {  	_ =	shalt  }
0x3e: {  	_ =	shalt  }
0x3f: {  	_ =	shalt  }
0x40: {  	_ =	shalt  }
0x41: {  	_ =	shalt  }
0x42: {  	_ =	shalt  }
0x43: {  	_ =	shalt  }
0x44: {  	_ =	shalt  }
0x45: {  	_ =	shalt  }
0x46: {  	_ =	shalt  }
0x47: {  	_ =	shalt  }
0x48: {  	_ =	shalt  }
0x49: {  	_ =	shalt  }
0x4a: {  	_ =	shalt  }
0x4b: {  	_ =	shalt  }
0x4c: {  	_ =	shalt  }
0x4d: {  	_ =	shalt  }
0x4e: {  	_ =	shalt  }
0x4f: {  	_ =	shalt  }
0x50: {  	_ =	shalt  }
0x51: {  	_ =	shalt  }
0x52: {  	_ =	shalt  }
0x53: {  	_ =	shalt  }
0x54: {  	_ =	shalt  }
0x55: {  	_ =	shalt  }
0x56: {  	_ =	shalt  }
0x57: {  	_ =	shalt  }
0x58: {  	_ =	shalt  }
0x59: {  	_ =	shalt  }
0x5a: {  	_ =	shalt  }
0x5b: {  	_ =	shalt  }
0x5c: {  	_ =	shalt  }
0x5d: {  	_ =	shalt  }
0x5e: {  	_ =	shalt  }
0x5f: {  	_ =	shalt  }
0x60: {  	_ =	shalt  }
0x61: {  	_ =	shalt  }
0x62: {  	_ =	shalt  }
0x63: {  	_ =	shalt  }
0x64: {  	_ =	shalt  }
0x65: {  	_ =	shalt  }
0x66: {  	_ =	shalt  }
0x67: {  	_ =	shalt  }
0x68: {  	_ =	shalt  }
0x69: {  	_ =	shalt  }
0x6a: {  	_ =	shalt  }
0x6b: {  	_ =	shalt  }
0x6c: {  	_ =	shalt  }
0x6d: {  	_ =	shalt  }
0x6e: {  	_ =	shalt  }
0x6f: {  	_ =	shalt  }
0x70: {  	_ =	shalt  }
0x71: {  	_ =	shalt  }
0x72: {  	_ =	shalt  }
0x73: {  	_ =	shalt  }
0x74: {  	_ =	shalt  }
0x75: {  	_ =	shalt  }
0x76: {  	_ =	shalt  }
0x77: {  	_ =	shalt  }
0x78: {  	_ =	shalt  }
0x79: {  	_ =	shalt  }
0x7a: {  	_ =	shalt  }
0x7b: {  	_ =	shalt  }
0x7c: {  	_ =	shalt  }
0x7d: {  	_ =	shalt  }
0x7e: {  	_ =	shalt  }
0x7f: {  	_ =	shalt  }
0x80: {  	_ =	shalt  }
0x81: {  	_ =	shalt  }
0x82: {  	_ =	shalt  }
0x83: {  	_ =	shalt  }
0x84: {  	_ =	shalt  }
0x85: {  	_ =	shalt  }
0x86: {  	_ =	shalt  }
0x87: {  	_ =	shalt  }
.Lfunc_end0:
.L_simem_size_0:
called_computation.1_lowered:
.L_overlay_start_0:
0x88: {  	s2 =	sld [smem:$0x3FD9]  }
0x89: {  	s3 =	sld [smem:$0x3FFE];
	_ =	sdelay $0x1  }
0x8a: {  	s1 =	srdreg.scid  }
0x8b: {  	s0 =	sand.u32 $0x1, s1  }
0x8c: {  	s16 =	sshll.u32 s0, $0xA;
	s2 =	sadd.s32 s3, s2  }
0x8d: {  	s2 =	sadd.s32 s2, s16  }
0x8e: {  	[smem:$0x3FB3] =	sst s2  }
0x8f: {  	_ = 	snop  }
0x90: {  	(tm) =	ssettm $0x1  }
0x91: {  	s17 =	sld [smem:$0x3FFB];
	_ =	sdelay $0x3  }
0x92: {  	_ =	strace s17  }
0x93: {  	s2 =	sld [smem:$0x3FFC];
	_ =	sdelay $0x3  }
0x94: {  	_ =	strace s2  }
0x95: {  	s2 =	sld [smem:$0x3FFD];
	_ =	sdelay $0x3  }
0x96: {  	_ =	strace s2  }
0x97: {  	_ =	strace $0x8FFFFFFF  }
0x98: {  	s18 =	sld [smem:$0x3FDB];
	_ =	sdelay $0x1  }
0x99: {  	s19 =	simm.s32 $_scs_section_size  }
0x9a: {  	s4 =	simm.s32 $_size__tile_overlayer_lowered;
	s5 =	simm.s32 $_tile_overlayer_lowered  }
0x9b: {  	s22 =	simm.s32 $0x1BFF;
	s21 =	sshll.u32 s5, $0x1;
	s2 =	sadd.s32 s19, s18  }
0x9c: {  	s6 =	simm.s32 $0x0;
	s20 =	sshll.u32 s4, $0x1;
	s4 =	sadd.s32 s21, s2  }
0x9d: {  	[timem:s6], [sflag:s22] =	dma.local [hbm:s4], s20  }
0x9e: {  	_ =	swait.ge [sflag:s22], s20  }
0x9f: {  	s3 =	ssub.s32 $0x0, s20;
	[sflag:s22] =	ssyncset.done $0x0  }
0xa0: {  	[sflag:s22] =	ssyncadd.s32 s3;
	_ =	sdelay $0x1  }
0xa1: {  	s23 =	simm.s32 $0x1B8B  }
0xa2: {  	_ =	swait.ge [sflag:s23], $0x1  }
0xa3: {  	[sflag:s23] =	ssyncset.done $0x0  }
0xa4: {  	s25 =	simm.s32 $0x1B8E;
	s24 =	sld [smem:$0x3FFE];
	[sflag:s23] =	ssyncadd.s32 $0xFFFFFFFF  }
0xa5: {  	s26 =	simm.s32 $execute0_lowered;
	[smem:$0x3FD2] =	sst s25  }
0xa6: {  	s4 =	sshll.u32 s26, $0x1;
	_ =	strace $0x80000049;
	[dreg:$0x1] =	wrdreg $0xFFFFFFFF  }
0xa7: {  	s28 =	simm.s32 $_size_execute0_lowered;
	s2 =	sadd.s32 s2, s4;
	[dreg:$0x0] =	wrdreg $0x0  }
0xa8: {  	s4 =	sshll.u32 s28, $0x1;
	[dreg:$0x2] =	wrdreg s2  }
0xa9: {  	[dreg:$0x3] =	wrdreg s4  }
0xaa: {  	[dreg:$0x4] =	wrdreg $0xC0  }
0xab: {  	_ =	task [dreg:s6], $0x5FFFF  }
0xac: {  	[dreg:$0x1] =	wrdreg $0xFFFFFFFF  }
0xad: {  	[dreg:$0x0] =	wrdreg $0x60  }
0xae: {  	[dreg:$0x2] =	wrdreg s24  }
0xaf: {  	[dreg:$0x3] =	wrdreg $0x8B000  }
0xb0: {  	[dreg:$0x4] =	wrdreg $0x9  }
0xb1: {  	_ =	task.clear_ibuf [dreg:s6], $0x5FFFF;
	_ =	strace $0x90000049  }
0xb2: {  	s29 =	simm.s32 $0x9;
	_ =	strace $0x8000004B  }
0xb3: {  	_ =	swait.ge [sflag:s29], $0x1  }
0xb4: {  	[sflag:s29] =	ssyncadd.s32 $0xFFFFFFFF  }
0xb5: {  	_ =	strace $0x9000004B  }
0xb6: {  	_ =	sfence  }
0xb7: {  	s30 =	sld [smem:$0x0];
	_ =	sdelay $0x2  }
0xb8: {  	s31 =	sshll.u32 s1, $0xD;
	s1 =	sshrl.u32 s1, $0x2  }
0xb9: {  	s3 =	sand.u32 $0x4000, s31;
	s1 =	sadd.s32 s1, s30  }
0xba: {  	s0 =	sor.u32 s3, s0;
	s1 =	sshll.u32 s1, $0x11  }
0xbb: {  	s0 =	sor.u32 s1, s0  }
0xbc: {  	s0 =	sadd.s32 $0x8F2B, s0  }
0xbd: {  	[sflag:s0] =	ssyncadd.remote.s32 $0x1  }
0xbe: {  	_ =	sfence.sel $0xFFFF  }
0xbf: {  	[dreg:$0x0] =	wrdreg $0xFFFFFFFF;
	(pc) =	sbr.abs _section_cstart, $3  }
0xc0: {  	[dreg:$0x1] =	wrdreg $0xFFFFFFFF  }
0xc1: {  	_ =	task.clear_ibuf [dreg:s6], $0x2FFFF;
	_ =	strace $0x9FFFFFFF  }
0xc2: {  	(tm) =	ssettm $0x7FFFFFFF  }
0xc3: {  	_ =	shalt  }
tec
execute0_lowered:
.L_overlay_start_1:
0x0: {  	(tag) =	ssettag $0x1  }
0x1: {  	s0 =	rddreg [dreg:$0x0]  }
0x2: {  	s1 =	rddreg [dreg:$0x1];
	s2 =	simm.s32 $0x0  }
0x3: {  	s5 =	srdreg.scid;
	s13 =	stileid.u32;
	s28 =	simm.s32 $0x1  }
0x4: {  	s29 =	simm.s32 $0x2;
	s30 =	simm.s32 $0x5;
	s31 =	simm.s32 $0x3  }
0x5: {  	[smem:$0x7FF] =	sst s2;
	s3 =	sadd.s32 $0x16800, s0;
	s4 =	sadd.s32 $0x2C00, s0  }
0x6: {  	s6 =	sadd.s32 $0xCA00, s0;
	s5 =	sand.u32 $0x1, s5;
	s10 =	smul.u32 $0x50000, s13  }
0x7: {  	s7 =	sadd.s32 $0x3DA00, s0;
	s19 =	sshll.u32 s13, $0x6;
	s11 =	smul.u32 $0x2710, s13  }
0x8: {  	s26 =	smul.u32 $0x2800, s13;
	_ =	strace $0x8000004A;
	[dreg:$0x3] =	wrdreg s7  }
0x9: {  	s16 =	smul.u32 $0x28000, s5;
	s8 =	ssub.s32 $0x2, s5;
	s9 =	sshll.u32 s5, $0x4  }
0xa: {  	s5 =	smul.u32 $0x27100, s5;
	s17 =	sshrl.u32 s8, $0x1;
	s9 =	sor.u32 s13, s9  }
0xb: {  	s18 =	sshrl.u32 s10, $0x2;
	s0 =	sadd.s32 s16, s0;
	s7 =	ssub.s32 s8, s17  }
0xc: {  	s9 =	smul.u32 $0x2710, s9;
	s10 =	sadd.s32 s18, s1;
	s5 =	sadd.s32 s11, s5  }
0xd: {  	s8 =	sor.u32 $0x1C07, s19;
	s11 =	simm.s32 $0x8300;
	s24 =	sadd.s32 $0x180, s5  }
0xe: {  	s0 =	sadd.s32 $0x40200, s0;
	s7 =	smax.u32 s7, $0x1;
	s18 =	sadd.s32 $0x100, s5  }
0xf: {  	s19 =	sshrl.u32 s10, $0x3;
	s5 =	simm.s32 $0x4;
	s10 =	simm.s32 $0x10  }
0x10: {  	s9 =	sshrl.u32 s9, $0x3;
	s25 =	sshrl.u32 s24, $0x3;
	[dreg:$0xa] =	wrdreg s7  }
0x11: {  	s0 =	sadd.s32 s26, s0;
	s26 =	simm.s32 $0x4300;
	s12 =	sadd.s32 s4, s9  }
0x12: {  	s20 =	sadd.s32 s6, s9;
	s21 =	sadd.s32 $0x10, s9;
	[dreg:$0xb] =	wrdreg s0  }
0x13: {  	s9 =	sadd.s32 $0x4E0, s9;
	s16 =	sadd.s32 s25, s6;
	[dreg:$0x4] =	wrdreg s12  }
0x14: {  	s17 =	sadd.s32 s25, s4;
	[dreg:$0x5] =	wrdreg s20;
	s14 =	sadd.s32 s4, s21  }
0x15: {  	s25 =	simm.s32 $0x300;
	s22 =	sadd.s32 s6, s21;
	[dreg:$0x6] =	wrdreg s14  }
0x16: {  	s0 =	simm.s32 $0x6;
	s23 =	sadd.s32 s4, s9;
	[dreg:$0x7] =	wrdreg s22  }
0x17: {  	s9 =	sadd.s32 s6, s9;
	s20 =	simm.s32 $0x7;
	[dreg:$0x8] =	wrdreg s23  }
0x18: {  	s21 =	simm.s32 $0x80;
	s12 =	simm.s32 $0x0;
	[dreg:$0x9] =	wrdreg s9  }
0x19: {  	s22 =	simm.s32 $0x100;
	s23 =	simm.s32 $0x180;
	s9 =	simm.s32 $0x280  }
.LBB2_1:
0x1a: {  	s7 =	rddreg [dreg:$0x3]  }
0x1b: {  	[spmem:s19], [sflag:s8] =	dma.local [hbm:s7], $0x2800  }
0x1c: {  	_ =	swait.ge [sflag:s20], $0x2800  }
0x1d: {  	[sflag:s20] =	ssyncset.done $0x0  }
0x1e: {  	s15 =	rddreg [dreg:$0x4];
	[sflag:s20] =	ssyncadd.s32 $0xFFFFD800  }
0x1f: {  	[tilespmem:s2], [sflag:$0x7] =	stream.linear.gather [hbm4b:s15+s2], $0x80, $0x38;
	[tilespmem:$0x1CB00] =	vst v63  }
0x20: {  	_ =	swait.ge [sflag:s20], $0x80  }
0x21: {  	[sflag:s20] =	ssyncset.done $0x0  }
0x22: {  	s24 =	rddreg [dreg:$0x5];
	[sflag:s20] =	ssyncadd.s32 $0xFFFFFF80  }
0x23: {  	[tilespmem:s21], [sflag:$0x7] =	stream.linear.gather [hbm4b:s24+s2], $0x80, $0x38;
	[tilespmem:$0x1CB00] =	vst v63  }
0x24: {  	_ =	swait.ge [sflag:s20], $0x80  }
0x25: {  	[sflag:s20] =	ssyncset.done $0x0  }
0x26: {  	s13 =	rddreg [dreg:$0x6];
	[sflag:s20] =	ssyncadd.s32 $0xFFFFFF80  }
0x27: {  	[tilespmem:s22], [sflag:$0x7] =	stream.linear.gather [hbm4b:s13+s2], $0x80, $0x38;
	[tilespmem:$0x1CB00] =	vst v63  }
0x28: {  	_ =	swait.ge [sflag:s20], $0x80  }
0x29: {  	[sflag:s20] =	ssyncset.done $0x0  }
0x2a: {  	s14 =	rddreg [dreg:$0x7];
	[sflag:s20] =	ssyncadd.s32 $0xFFFFFF80  }
0x2b: {  	[tilespmem:s23], [sflag:$0x7] =	stream.linear.gather [hbm4b:s14+s2], $0x80, $0x38;
	[tilespmem:$0x1CB00] =	vst v63  }
0x2c: {  	_ =	swait.ge [sflag:s20], $0x80  }
0x2d: {  	[sflag:s20] =	ssyncset.done $0x0  }
0x2e: {  	[sflag:s20] =	ssyncadd.s32 $0xFFFFFF80  }
0x2f: {  	[bflag:$0x0] =	sbarrier.arrive $0xFFFF  }
0x30: {  	[tilespmem:s25], [sflag:$0x1] =	stream.indirect.gather [hbm4b:s3+s21], $0x80, s2, s21, $0xb8;
	[tilespmem:$0x1CB00] =	vst v63  }
0x31: {  	_ = 	snop  }
0x32: {  	[tilespmem:s26], [sflag:$0x2] =	stream.indirect.gather [hbm4b:s3+s21], $0x80, s22, s21, $0xb8;
	[tilespmem:$0x1CB00] =	vst v63  }
0x33: {  	_ =	swait.ge [sflag:s28], $0x4000  }
0x34: {  	[sflag:s28] =	ssyncset.done $0x0  }
0x35: {  	[sflag:s28] =	ssyncadd.s32 $0xFFFFC000  }
0x36: {  	[spmem:s1] =	stream.indirect.scatter.add.f32 [tilespmem:s25], [sflag:$0x5], $0x80, s21, s21, $0xb8;
	[tilespmem:$0x1CB00] =	vst v63  }
0x37: {  	_ =	swait.ge [sflag:s29], $0x4000  }
0x38: {  	[sflag:s29] =	ssyncset.done $0x0  }
0x39: {  	[sflag:s29] =	ssyncadd.s32 $0xFFFFC000  }
0x3a: {  	[spmem:s1] =	stream.indirect.scatter.add.f32 [tilespmem:s26], [sflag:$0x6], $0x80, s23, s21, $0xb8;
	[tilespmem:$0x1CB00] =	vst v63  }
0x3b: {  	_ =	swait.ge [sflag:s30], $0x4000  }
0x3c: {  	s13 =	sshrl.u32 s18, $0x3;
	[sflag:s30] =	ssyncset.done $0x0  }
0x3d: {  	s14 =	sadd.s32 s4, s13;
	[sflag:s30] =	ssyncadd.s32 $0xFFFFC000  }
0x3e: {  	[tilespmem:s2], [sflag:$0x3] =	stream.linear.gather [hbm4b:s14+s2], $0x80, $0x38;
	[tilespmem:$0x1CB00] =	vst v63  }
0x3f: {  	s13 =	sadd.s32 s6, s13  }
0x40: {  	[tilespmem:s21], [sflag:$0x3] =	stream.linear.gather [hbm4b:s13+s2], $0x80, $0x38;
	[tilespmem:$0x1CB00] =	vst v63  }
0x41: {  	_ =	swait.ge [sflag:s31], $0x80  }
0x42: {  	[sflag:s31] =	ssyncset.done $0x0  }
0x43: {  	[sflag:s31] =	ssyncadd.s32 $0xFFFFFF80  }
0x44: {  	_ =	swait.ge [sflag:s31], $0x80  }
0x45: {  	[sflag:s31] =	ssyncset.done $0x0  }
0x46: {  	[sflag:s31] =	ssyncadd.s32 $0xFFFFFF80  }
0x47: {  	[tilespmem:s25], [sflag:$0x1] =	stream.indirect.gather [hbm4b:s3+s21], $0x80, s2, s21, $0xb8;
	[tilespmem:$0x1CB00] =	vst v63  }
0x48: {  	_ =	swait.ge [sflag:s0], $0x4000  }
0x49: {  	[sflag:s0] =	ssyncset.done $0x0  }
0x4a: {  	s15 =	sadd.s32 $0x0, s17;
	[sflag:s0] =	ssyncadd.s32 $0xFFFFC000  }
0x4b: {  	[tilespmem:s22], [sflag:$0x4] =	stream.linear.gather [hbm4b:s15+s2], $0x80, $0x38;
	[tilespmem:$0x1CB00] =	vst v63  }
0x4c: {  	s24 =	sadd.s32 $0x0, s16  }
0x4d: {  	[tilespmem:s23], [sflag:$0x4] =	stream.linear.gather [hbm4b:s24+s2], $0x80, $0x38;
	[tilespmem:$0x1CB00] =	vst v63  }
0x4e: {  	_ =	swait.ge [sflag:s5], $0x80  }
0x4f: {  	[sflag:s5] =	ssyncset.done $0x0  }
0x50: {  	[sflag:s5] =	ssyncadd.s32 $0xFFFFFF80  }
0x51: {  	_ =	swait.ge [sflag:s5], $0x80  }
0x52: {  	[sflag:s5] =	ssyncset.done $0x0  }
0x53: {  	s14 =	sadd.s32 $0x100, s18;
	s13 =	simm.s32 $0x20;
	[sflag:s5] =	ssyncadd.s32 $0xFFFFFF80  }
.LBB2_2:
0x54: {  	[tilespmem:s26], [sflag:$0x2] =	stream.indirect.gather [hbm4b:s3+s21], $0x80, s22, s21, $0xb8;
	[tilespmem:$0x1CB00] =	vst v63  }
0x55: {  	s15 =	smov.u32 s13  }
0x56: {  	p0 =	sne.s32 s13, $0x4A0;
	s13 =	sadd.s32 $0x20, s13;
	_ =	swait.ge [sflag:s28], $0x4000  }
0x57: {  	[sflag:s28] =	ssyncset.done $0x0  }
0x58: {  	[sflag:s28] =	ssyncadd.s32 $0xFFFFC000  }
0x59: {  	[spmem:s1] =	stream.indirect.scatter.add.f32 [tilespmem:s25], [sflag:$0x5], $0x80, s21, s21, $0xb8;
	[tilespmem:$0x1CB00] =	vst v63  }
0x5a: {  	_ =	swait.ge [sflag:s29], $0x4000  }
0x5b: {  	[sflag:s29] =	ssyncset.done $0x0  }
0x5c: {  	[sflag:s29] =	ssyncadd.s32 $0xFFFFC000  }
0x5d: {  	[spmem:s1] =	stream.indirect.scatter.add.f32 [tilespmem:s26], [sflag:$0x6], $0x80, s23, s21, $0xb8;
	[tilespmem:$0x1CB00] =	vst v63  }
0x5e: {  	_ =	swait.ge [sflag:s30], $0x4000  }
0x5f: {  	s24 =	sshrl.u32 s14, $0x3;
	[sflag:s30] =	ssyncset.done $0x0  }
0x60: {  	s7 =	sadd.s32 s4, s24;
	[sflag:s30] =	ssyncadd.s32 $0xFFFFC000  }
0x61: {  	[tilespmem:s2], [sflag:$0x3] =	stream.linear.gather [hbm4b:s7+s2], $0x80, $0x38;
	[tilespmem:$0x1CB00] =	vst v63  }
0x62: {  	s7 =	sadd.s32 s6, s24  }
0x63: {  	[tilespmem:s21], [sflag:$0x3] =	stream.linear.gather [hbm4b:s7+s2], $0x80, $0x38;
	[tilespmem:$0x1CB00] =	vst v63  }
0x64: {  	_ =	swait.ge [sflag:s31], $0x80  }
0x65: {  	[sflag:s31] =	ssyncset.done $0x0  }
0x66: {  	[sflag:s31] =	ssyncadd.s32 $0xFFFFFF80  }
0x67: {  	_ =	swait.ge [sflag:s31], $0x80  }
0x68: {  	[sflag:s31] =	ssyncset.done $0x0  }
0x69: {  	[sflag:s31] =	ssyncadd.s32 $0xFFFFFF80  }
0x6a: {  	[tilespmem:s25], [sflag:$0x1] =	stream.indirect.gather [hbm4b:s3+s21], $0x80, s2, s21, $0xb8;
	[tilespmem:$0x1CB00] =	vst v63  }
0x6b: {  	_ =	swait.ge [sflag:s0], $0x4000  }
0x6c: {  	[sflag:s0] =	ssyncset.done $0x0  }
0x6d: {  	s7 =	sadd.s32 s15, s17;
	[sflag:s0] =	ssyncadd.s32 $0xFFFFC000  }
0x6e: {  	[tilespmem:s22], [sflag:$0x4] =	stream.linear.gather [hbm4b:s7+s2], $0x80, $0x38;
	[tilespmem:$0x1CB00] =	vst v63  }
0x6f: {  	s7 =	sadd.s32 s15, s16  }
0x70: {  	[tilespmem:s23], [sflag:$0x4] =	stream.linear.gather [hbm4b:s7+s2], $0x80, $0x38;
	[tilespmem:$0x1CB00] =	vst v63  }
0x71: {  	_ =	swait.ge [sflag:s5], $0x80  }
.Ltmp0:
0x72: {  	[sflag:s5] =	ssyncset.done $0x0;
	(pc) =	sbr.rel @p0 .LBB2_2-.Ltmp0, $4  }
0x73: {  	[sflag:s5] =	ssyncadd.s32 $0xFFFFFF80  }
0x74: {  	_ =	swait.ge [sflag:s5], $0x80  }
0x75: {  	[sflag:s5] =	ssyncset.done $0x0  }
0x76: {  	s14 =	sadd.s32 $0x100, s14;
	[sflag:s5] =	ssyncadd.s32 $0xFFFFFF80  }
0x77: {  	[tilespmem:s26], [sflag:$0x2] =	stream.indirect.gather [hbm4b:s3+s21], $0x80, s22, s21, $0xb8;
	[tilespmem:$0x1CB00] =	vst v63  }
0x78: {  	_ =	swait.ge [sflag:s28], $0x4000  }
0x79: {  	[sflag:s28] =	ssyncset.done $0x0  }
0x7a: {  	[sflag:s28] =	ssyncadd.s32 $0xFFFFC000  }
0x7b: {  	[spmem:s1] =	stream.indirect.scatter.add.f32 [tilespmem:s25], [sflag:$0x7], $0x80, s21, s21, $0xb8;
	[tilespmem:$0x1CB00] =	vst v63  }
0x7c: {  	_ =	swait.ge [sflag:s20], $0x4000  }
0x7d: {  	[sflag:s20] =	ssyncset.done $0x0  }
0x7e: {  	[sflag:s20] =	ssyncadd.s32 $0xFFFFC000  }
0x7f: {  	_ =	swait.ge [sflag:s29], $0x4000  }
0x80: {  	[sflag:s29] =	ssyncset.done $0x0  }
0x81: {  	[sflag:s29] =	ssyncadd.s32 $0xFFFFC000  }
0x82: {  	[spmem:s1] =	stream.indirect.scatter.add.f32 [tilespmem:s26], [sflag:$0x7], $0x80, s23, s21, $0xb8;
	[tilespmem:$0x1CB00] =	vst v63  }
0x83: {  	_ =	swait.ge [sflag:s20], $0x4000  }
0x84: {  	[sflag:s20] =	ssyncset.done $0x0  }
0x85: {  	s13 =	simm.s32 $0x200;
	s7 =	rddreg [dreg:$0x8];
	[sflag:s20] =	ssyncadd.s32 $0xFFFFC000  }
0x86: {  	[tilespmem:s13], [sflag:$0x7] =	stream.linear.gather [hbm4b:s7+s2], $0x10, $0x38;
	[tilespmem:$0x1CB00] =	vst v63  }
0x87: {  	_ =	swait.ge [sflag:s20], $0x10  }
0x88: {  	[sflag:s20] =	ssyncset.done $0x0  }
0x89: {  	s14 =	rddreg [dreg:$0x9];
	[sflag:s20] =	ssyncadd.s32 $0xFFFFFFF0  }
0x8a: {  	[tilespmem:s9], [sflag:$0x7] =	stream.linear.gather [hbm4b:s14+s2], $0x10, $0x38;
	[tilespmem:$0x1CB00] =	vst v63  }
0x8b: {  	_ =	swait.ge [sflag:s20], $0x10  }
0x8c: {  	[sflag:s20] =	ssyncset.done $0x0  }
0x8d: {  	[sflag:s20] =	ssyncadd.s32 $0xFFFFFFF0  }
0x8e: {  	[tilespmem:s11], [sflag:$0x1] =	stream.indirect.gather [hbm4b:s3+s10], $0x80, s13, s10, $0xb8;
	[tilespmem:$0x1CB00] =	vst v63  }
0x8f: {  	_ =	swait.ge [sflag:s28], $0x800  }
0x90: {  	[sflag:s28] =	ssyncset.done $0x0  }
0x91: {  	[sflag:s28] =	ssyncadd.s32 $0xFFFFF800  }
0x92: {  	[spmem:s1] =	stream.indirect.scatter.add.f32 [tilespmem:s11], [sflag:$0x7], $0x80, s9, s10, $0xb8;
	[tilespmem:$0x1CB00] =	vst v63  }
0x93: {  	_ =	swait.ge [sflag:s20], $0x800  }
0x94: {  	[sflag:s20] =	ssyncset.done $0x0  }
0x95: {  	[sflag:s20] =	ssyncadd.s32 $0xFFFFF800  }
0x96: {  	[bflag:$0x0] =	sbarrier.arrive $0xFFFF  }
0x97: {  	s15 =	rddreg [dreg:$0xb]  }
0x98: {  	[hbm:s15], [sflag:s8] =	dma.local [spmem:s19], $0x2800  }
0x99: {  	_ =	swait.ge [sflag:s20], $0x2800  }
0x9a: {  	s12 =	sadd.s32 $0x1, s12;
	s24 =	rddreg [dreg:$0xa]  }
0x9b: {  	p0 =	sne.s32 s12, s24  }
.Ltmp1:
0x9c: {  	_ = 	snop;
	(pc) =	sbr.rel @p0 .LBB2_1-.Ltmp1, $3  }
0x9d: {  	_ =	sdelay $0x1  }
0x9e: {  	[sflag:s20] =	ssyncset.done $0x0  }
0x9f: {  	[sflag:s20] =	ssyncadd.s32 $0xFFFFD800  }
0xa0: {  	_ =	sfence.sel $0x180000  }
0xa1: {  	[bflag:$0x0] =	sbarrier.arrive $0xFFFF  }
0xa2: {  	_ =	strace $0x9000004A  }
0xa3: {  	s0 =	stileid.u32;
	[bflag:$0x2] =	sbarrier.arrive $0xFFFF  }
0xa4: {  	p0 =	sne.s32 s0, $0x0;
	s0 =	rddreg [dreg:$0x2]  }
0xa5: {  	s0 =	sadd.s32 @!p0 $0x100000, s0  }
0xa6: {  	[sflag:s0] =	ssyncadd.tile.s32 @!p0 $0x1;
	_ =	shalt  }
.Lfunc_end2:
_tile_overlayer_lowered:
.L_overlay_start_2:
0xa7: {  	(tag) =	ssettag $0x2  }
0xa8: {  	s0 =	rddreg [dreg:$0x0];
	s2 =	stileid.u32  }
0xa9: {  	s1 =	rddreg [dreg:$0x1];
	p0 =	sne.s32 s2, $0x0  }
0xaa: {  	s3 =	rddreg [dreg:$0x2];
	[bflag:$0x3] =	sbarrier.arrive $0xFFFF;
	s2 =	simm.s32 @!p0 $0x1C07  }
0xab: {  	[timem:s3], [sflag:s2] =	dma.local @!p0 [hbm:s0], s1  }
0xac: {  	s0 =	simm.s32 @!p0 $0x7  }
0xad: {  	_ =	swait.ge @!p0 [sflag:s0], s1  }
0xae: {  	s1 =	ssub.s32 @!p0 $0x0, s1;
	[sflag:s0] =	ssyncset.done @!p0 $0x0  }
0xaf: {  	[sflag:s0] =	ssyncadd.s32 @!p0 s1  }
0xb0: {  	[bflag:$0x3] =	sbarrier.arrive $0xFFFF  }
0xb1: {  	_ =	shalt  }

// kernel: kernel.7.cloned.1.call-start
scs
__scs_entry_jumppad:
0x0: {  	(pc) =	sbr.rel $0x88, $3  }
0x1: {  	(tag) =	ssettag $0x0;
	lr =	simm.s32 $0x1  }
0x2: {  	[smem:$0x3F8C] =	sst lr;
	_ =	strace $0xD0000000  }
0x3: {  	_ = 	snop  }
0x4: {  	_ = 	snop  }
0x5: {  	_ = 	snop  }
0x6: {  	_ = 	snop  }
0x7: {  	_ = 	snop  }
__scs_overlays_trampoline_lowered:
0x8: {  	[smem:$0x3F9B] =	sst s0  }
0x9: {  	[smem:$0x3F9C] =	sst s1  }
0xa: {  	[smem:$0x3F9D] =	sst s2  }
0xb: {  	[smem:$0x3F9E] =	sst s3  }
0xc: {  	[smem:$0x3F9F] =	sst s4  }
0xd: {  	[smem:$0x3FA0] =	sst s5  }
0xe: {  	[smem:$0x3FA1] =	sst s6  }
0xf: {  	[smem:$0x3FA2] =	sst s7  }
0x10: {  	[smem:$0x3FA3] =	sst s8  }
0x11: {  	[smem:$0x3FA4] =	sst s9;
	s0 =	simm.s32 @!p0 $0x0  }
0x12: {  	s1 =	sld [smem:$0x3F8A];
	s0 =	simm.s32 @p0 $0x1  }
0x13: {  	[smem:$0x3FA5] =	sst s0;
	s0 =	simm.s32 @!p1 $0x0  }
0x14: {  	s2 =	sld [smem:$0x3F89];
	s0 =	simm.s32 @p1 $0x1  }
0x15: {  	[smem:$0x3FA6] =	sst s0;
	s0 =	simm.s32 @!p2 $0x0  }
0x16: {  	s3 =	sld [smem:$0x3FDB];
	s0 =	simm.s32 @p2 $0x1  }
0x17: {  	s4 =	simm.s32 $0x1BF5;
	[smem:$0x3FA8] =	sst s0  }
0x18: {  	s0 =	sld [smem:$0x3F8B];
	_ =	swait.ge [sflag:s4], $0x0  }
0x19: {  	s7 =	sld [smem:$0x3F8C]  }
0x1a: {  	s8 =	sadd.s32 $0xFFFFE003, lr  }
0x1b: {  	s9 =	sadd.s32 $0xFFFFFEF7, lr;
	s5 =	simm.s32 $0xFFFFFFFF;
	p2 =	slt.u32 s8, $0xFFFFF086  }
0x1c: {  	p1 =	slt.u32 s9, $0xF7A;
	s5 =	simm.s32 @!p2 $0x0  }
0x1d: {  	s5 =	simm.s32 @p1 $0x1;
	p0 =	seq.s32 s7, s2  }
0x1e: {  	s7 =	smul.u32 @!p0 $0xF7A, s2;
	p2 =	seq.s32 @!p0 s5, $0x0  }
0x1f: {  	s9 =	smul.u32 $0xF7A, s1;
	s8 =	simm.s32 @!p0 $0x1BF5;
	p2 =	por !p2, p0  }
0x20: {  	[sflag:s8] =	ssyncset.s32 @!p0 $0xFFFFF086;
	s6 =	sadd.s32 @!p0 s3, s7;
	s7 =	simm.s32 @!p0 $0x108  }
0x21: {  	s3 =	sadd.s32 s3, s9;
	s6 =	sadd.s32 @!p0 $0x88, s6;
	s7 =	simm.s32 @p2 $0x1082  }
0x22: {  	[simem:s7], [sflag:s8] =	dma.local @!p0 [hbm:s6], $0xF7A  }
0x23: {  	s9 =	sor.u32 $0xD0000000, s2;
	s6 =	simm.s32 $0x108;
	_ =	swait.ge @!p0 [sflag:s8], $0x0  }
0x24: {  	s3 =	sadd.s32 $0x88, s3;
	s6 =	simm.s32 @!p1 $0x1082;
	[sflag:s4] =	ssyncset.s32 $0xFFFFF086  }
0x25: {  	[simem:s6], [sflag:s4] =	dma.local [hbm:s3], $0xF7A  }
0x26: {  	[smem:$0x3F8C] =	sst s1;
	(tag) =	ssettag s2;
	_ =	strace s9  }
0x27: {  	s1 =	sld [smem:$0x3F9C]  }
0x28: {  	s2 =	sld [smem:$0x3F9D]  }
0x29: {  	s4 =	sld [smem:$0x3F9F]  }
0x2a: {  	p0 =	seq.s32 s5, $0x0;
	s5 =	sld [smem:$0x3FA0]  }
0x2b: {  	s6 =	sld [smem:$0x3FA1]  }
0x2c: {  	s7 =	sld [smem:$0x3FA2]  }
0x2d: {  	s3 =	simm.s32 $0x108;
	s8 =	sld [smem:$0x3FA3]  }
0x2e: {  	s3 =	simm.s32 @!p0 $0x1082;
	s9 =	sld [smem:$0x3FA4]  }
0x2f: {  	lr =	sadd.s32 s0, s3;
	s0 =	sld [smem:$0x3F9B]  }
0x30: {  	s3 =	sld [smem:$0x3F9E]  }
0x31: {  	[smem:$0x3FA7] =	sst s10  }
0x32: {  	s10 =	sld [smem:$0x3FA5];
	_ =	sdelay $0x3  }
0x33: {  	p0 =	seq.s32 s10, $0x1;
	s10 =	sld [smem:$0x3FA7];
	_ =	sdelay $0x3  }
0x34: {  	[smem:$0x3FA7] =	sst s10  }
0x35: {  	s10 =	sld [smem:$0x3FA6];
	_ =	sdelay $0x3  }
0x36: {  	p1 =	seq.s32 s10, $0x1;
	s10 =	sld [smem:$0x3FA7];
	_ =	sdelay $0x3  }
0x37: {  	[smem:$0x3FA7] =	sst s10  }
0x38: {  	s10 =	sld [smem:$0x3FA8]  }
0x39: {  	_ = 	snop;
	(pc) =	sbr.ind lr, $3  }
0x3a: {  	_ = 	snop  }
0x3b: {  	_ = 	snop  }
0x3c: {  	p2 =	seq.s32 s10, $0x1;
	s10 =	sld [smem:$0x3FA7]  }
0x3d: {  	_ =	shalt  }
0x3e: {  	_ =	shalt  }
0x3f: {  	_ =	shalt  }
0x40: {  	_ =	shalt  }
0x41: {  	_ =	shalt  }
0x42: {  	_ =	shalt  }
0x43: {  	_ =	shalt  }
0x44: {  	_ =	shalt  }
0x45: {  	_ =	shalt  }
0x46: {  	_ =	shalt  }
0x47: {  	_ =	shalt  }
0x48: {  	_ =	shalt  }
0x49: {  	_ =	shalt  }
0x4a: {  	_ =	shalt  }
0x4b: {  	_ =	shalt  }
0x4c: {  	_ =	shalt  }
0x4d: {  	_ =	shalt  }
0x4e: {  	_ =	shalt  }
0x4f: {  	_ =	shalt  }
0x50: {  	_ =	shalt  }
0x51: {  	_ =	shalt  }
0x52: {  	_ =	shalt  }
0x53: {  	_ =	shalt  }
0x54: {  	_ =	shalt  }
0x55: {  	_ =	shalt  }
0x56: {  	_ =	shalt  }
0x57: {  	_ =	shalt  }
0x58: {  	_ =	shalt  }
0x59: {  	_ =	shalt  }
0x5a: {  	_ =	shalt  }
0x5b: {  	_ =	shalt  }
0x5c: {  	_ =	shalt  }
0x5d: {  	_ =	shalt  }
0x5e: {  	_ =	shalt  }
0x5f: {  	_ =	shalt  }
0x60: {  	_ =	shalt  }
0x61: {  	_ =	shalt  }
0x62: {  	_ =	shalt  }
0x63: {  	_ =	shalt  }
0x64: {  	_ =	shalt  }
0x65: {  	_ =	shalt  }
0x66: {  	_ =	shalt  }
0x67: {  	_ =	shalt  }
0x68: {  	_ =	shalt  }
0x69: {  	_ =	shalt  }
0x6a: {  	_ =	shalt  }
0x6b: {  	_ =	shalt  }
0x6c: {  	_ =	shalt  }
0x6d: {  	_ =	shalt  }
0x6e: {  	_ =	shalt  }
0x6f: {  	_ =	shalt  }
0x70: {  	_ =	shalt  }
0x71: {  	_ =	shalt  }
0x72: {  	_ =	shalt  }
0x73: {  	_ =	shalt  }
0x74: {  	_ =	shalt  }
0x75: {  	_ =	shalt  }
0x76: {  	_ =	shalt  }
0x77: {  	_ =	shalt  }
0x78: {  	_ =	shalt  }
0x79: {  	_ =	shalt  }
0x7a: {  	_ =	shalt  }
0x7b: {  	_ =	shalt  }
0x7c: {  	_ =	shalt  }
0x7d: {  	_ =	shalt  }
0x7e: {  	_ =	shalt  }
0x7f: {  	_ =	shalt  }
0x80: {  	_ =	shalt  }
0x81: {  	_ =	shalt  }
0x82: {  	_ =	shalt  }
0x83: {  	_ =	shalt  }
0x84: {  	_ =	shalt  }
0x85: {  	_ =	shalt  }
0x86: {  	_ =	shalt  }
0x87: {  	_ =	shalt  }
.Lfunc_end0:
.L_simem_size_0:
called_computation_lowered:
.L_overlay_start_0:
0x88: {  	s2 =	sld [smem:$0x3FD9]  }
0x89: {  	s3 =	sld [smem:$0x3FFE];
	_ =	sdelay $0x1  }
0x8a: {  	s1 =	srdreg.scid  }
0x8b: {  	s0 =	sand.u32 $0x1, s1  }
0x8c: {  	s17 =	sshll.u32 s0, $0xA;
	s2 =	sadd.s32 s3, s2  }
0x8d: {  	s2 =	sadd.s32 s2, s17  }
0x8e: {  	[smem:$0x3FB3] =	sst s2  }
0x8f: {  	_ = 	snop  }
0x90: {  	s2 =	sld [smem:$0x3FD0];
	(tm) =	ssettm $0x1  }
0x91: {  	s18 =	sld [smem:$0x3FFB];
	_ =	sdelay $0x3  }
0x92: {  	_ =	strace s18  }
0x93: {  	s3 =	sld [smem:$0x3FFC];
	_ =	sdelay $0x3  }
0x94: {  	_ =	strace s3  }
0x95: {  	s3 =	sld [smem:$0x3FFD];
	_ =	sdelay $0x3  }
0x96: {  	_ =	strace s3  }
0x97: {  	_ =	strace $0x8FFFFFFF  }
0x98: {  	s19 =	sld [smem:$0x3FDB];
	_ =	sdelay $0x1  }
0x99: {  	s4 =	simm.s32 $_scs_section_size  }
0x9a: {  	s5 =	simm.s32 $_size__tile_overlayer_lowered;
	s6 =	simm.s32 $_tile_overlayer_lowered  }
0x9b: {  	s22 =	simm.s32 $0x1BFF;
	s21 =	sshll.u32 s6, $0x1;
	s3 =	sadd.s32 s4, s19  }
0x9c: {  	s7 =	simm.s32 $0x0;
	s20 =	sshll.u32 s5, $0x1;
	s5 =	sadd.s32 s21, s3  }
0x9d: {  	[timem:s7], [sflag:s22] =	dma.local [hbm:s5], s20  }
0x9e: {  	_ =	swait.ge [sflag:s22], s20  }
0x9f: {  	s4 =	ssub.s32 $0x0, s20;
	[sflag:s22] =	ssyncset.done $0x0  }
0xa0: {  	[sflag:s22] =	ssyncadd.s32 s4;
	_ =	sdelay $0x1  }
0xa1: {  	s23 =	simm.s32 $0x1B8B  }
0xa2: {  	_ =	swait.ge [sflag:s23], $0x1  }
0xa3: {  	[sflag:s23] =	ssyncset.done $0x0  }
0xa4: {  	s25 =	simm.s32 $0x1B8E;
	s24 =	sld [smem:$0x3FFE];
	[sflag:s23] =	ssyncadd.s32 $0xFFFFFFFF  }
0xa5: {  	s26 =	simm.s32 $execute0_lowered;
	[smem:$0x3FD2] =	sst s25  }
0xa6: {  	s5 =	sshll.u32 s26, $0x1;
	_ =	strace $0x80000046;
	[dreg:$0x1] =	wrdreg $0xFFFFFFFF  }
0xa7: {  	s28 =	simm.s32 $_size_execute0_lowered;
	s3 =	sadd.s32 s3, s5;
	[dreg:$0x0] =	wrdreg $0x0  }
0xa8: {  	s5 =	sshll.u32 s28, $0x1;
	[dreg:$0x2] =	wrdreg s3  }
0xa9: {  	[dreg:$0x3] =	wrdreg s5  }
0xaa: {  	[dreg:$0x4] =	wrdreg $0xC0  }
0xab: {  	_ =	task [dreg:s7], $0x5FFFF  }
0xac: {  	[dreg:$0x1] =	wrdreg $0xFFFFFFFF  }
0xad: {  	[dreg:$0x0] =	wrdreg $0x60  }
0xae: {  	[dreg:$0x2] =	wrdreg s24  }
0xaf: {  	[dreg:$0x3] =	wrdreg s2  }
0xb0: {  	[dreg:$0x4] =	wrdreg $0x40800  }
0xb1: {  	[dreg:$0x5] =	wrdreg $0x9  }
0xb2: {  	_ =	task.clear_ibuf [dreg:s7], $0x6FFFF;
	_ =	strace $0x90000046  }
0xb3: {  	s29 =	simm.s32 $0x9;
	_ =	strace $0x80000048  }
0xb4: {  	_ =	swait.ge [sflag:s29], $0x1  }
0xb5: {  	[sflag:s29] =	ssyncadd.s32 $0xFFFFFFFF  }
0xb6: {  	_ =	strace $0x90000048  }
0xb7: {  	_ =	sfence  }
0xb8: {  	s30 =	sld [smem:$0x0];
	_ =	sdelay $0x2  }
0xb9: {  	s31 =	sshll.u32 s1, $0xD;
	s1 =	sshrl.u32 s1, $0x2  }
0xba: {  	s3 =	sand.u32 $0x4000, s31;
	s1 =	sadd.s32 s1, s30  }
0xbb: {  	s0 =	sor.u32 s3, s0;
	s1 =	sshll.u32 s1, $0x11  }
0xbc: {  	s0 =	sor.u32 s1, s0  }
0xbd: {  	s0 =	sadd.s32 $0x8F2B, s0  }
0xbe: {  	[sflag:s0] =	ssyncadd.remote.s32 $0x1  }
0xbf: {  	_ =	sfence.sel $0xFFFF  }
0xc0: {  	[dreg:$0x0] =	wrdreg $0xFFFFFFFF;
	(pc) =	sbr.abs _section_cstart, $3  }
0xc1: {  	[dreg:$0x1] =	wrdreg $0xFFFFFFFF  }
0xc2: {  	_ =	task.clear_ibuf [dreg:s7], $0x2FFFF;
	_ =	strace $0x9FFFFFFF  }
0xc3: {  	(tm) =	ssettm $0x7FFFFFFF  }
tec
execute0_lowered:
.L_overlay_start_1:
0x0: {  	(tag) =	ssettag $0x1  }
0x1: {  	s6 =	rddreg [dreg:$0x0]  }
0x2: {  	s1 =	rddreg [dreg:$0x1]  }
0x3: {  	s3 =	rddreg [dreg:$0x2]  }
0x4: {  	s0 =	rddreg [dreg:$0x3];
	s4 =	simm.s32 $0x0  }
0x5: {  	s2 =	stileid.u32;
	s5 =	srdreg.scid;
	s13 =	simm.s32 $0x1  }
0x6: {  	s16 =	simm.s32 $0x10;
	s17 =	simm.s32 $0x0;
	[smem:$0x7FF] =	sst s4  }
0x7: {  	s7 =	sshll.u32 s2, $0xB;
	s8 =	sand.u32 $0x1, s5;
	s12 =	smul.u32 $0xA00, s2  }
0x8: {  	s5 =	sadd.s32 $0x26800, s6;
	s31 =	sshll.u32 s2, $0x6;
	s15 =	smul.u32 $0xA0, s2  }
0x9: {  	_ =	strace $0x80000047;
	s7 =	sadd.s32 s7, s6;
	s9 =	ssub.s32 $0x2, s8  }
0xa: {  	s10 =	sshll.u32 s8, $0x4;
	s29 =	sshll.u32 s8, $0xF;
	s11 =	sshrl.u32 s9, $0x1  }
0xb: {  	s10 =	sadd.s32 s10, s6;
	s30 =	sshrl.u32 s12, $0x2;
	s7 =	sadd.s32 s29, s7  }
0xc: {  	s6 =	sor.u32 $0x1C02, s31;
	s9 =	ssub.s32 s9, s11;
	s12 =	sadd.s32 s30, s3  }
0xd: {  	s7 =	sadd.s32 $0x16800, s7;
	s14 =	sadd.s32 $0x26A00, s10;
	s10 =	simm.s32 $0x2  }
0xe: {  	s11 =	simm.s32 $0x4000;
	s8 =	smax.u32 s9, $0x1;
	s9 =	sshrl.u32 s12, $0x3  }
0xf: {  	s12 =	simm.s32 $0x50;
	s14 =	sadd.s32 s15, s14;
	s15 =	simm.s32 $0x20  }
.LBB2_1:
0x10: {  	[spmem:s9], [sflag:s6] =	dma.local [hbm:s1], $0x50  }
0x11: {  	_ =	swait.ge [sflag:s10], $0x50  }
0x12: {  	[sflag:s10] =	ssyncset.done $0x0  }
0x13: {  	[sflag:s10] =	ssyncadd.s32 $0xFFFFFFB0  }
0x14: {  	[tilespmem:s11], [sflag:$0x2] =	stream.linear.gather [hbm4b:s5+s4], $0x80, $0x38;
	[tilespmem:$0x4300] =	vst v63  }
0x15: {  	_ =	swait.ge [sflag:s10], $0x80  }
0x16: {  	[sflag:s10] =	ssyncset.done $0x0  }
0x17: {  	[sflag:s10] =	ssyncadd.s32 $0xFFFFFF80  }
0x18: {  	[tilespmem:s4], [sflag:$0x2] =	stream.linear.gather [hbm4b:s7+s4], $0x3E80, $0x38;
	[tilespmem:$0x4300] =	vst v63  }
0x19: {  	_ =	swait.ge [sflag:s10], $0x3E80  }
0x1a: {  	[sflag:s10] =	ssyncset.done $0x0  }
0x1b: {  	p0 =	por $0x1, $0x1;
	[sflag:s10] =	ssyncadd.s32 $0xFFFFC180  }
0x1c: {  	s20 =	simm.s32 @!p0 $0x1;
	[bflag:$0x0] =	sbarrier.arrive $0xFFFF  }
0x1d: {  	[spmem:s3] =	stream.indirect.scatter.add.f32 [tilespmem:s11], [sflag:$0x1], $0x1, s4, s12, $0xb8;
	[tilespmem:$0x4300] =	vst v63  }
0x1e: {  	_ =	swait.ge @!p0 [sflag:s20], $0x50  }
0x1f: {  	s18 =	simm.s32 $0x1;
	s19 =	simm.s32 $0x0;
	[sflag:s20] =	ssyncset.done @!p0 $0x0  }
.LBB2_2:
0x20: {  	[sflag:s20] =	ssyncadd.s32 @!p0 $0xFFFFFFB0  }
0x21: {  	s19 =	sadd.s32 $0x80, s19;
	s20 =	smov.u32 s18;
	s18 =	sadd.s32 $0x1, s18  }
0x22: {  	p1 =	sne.s32 s18, $0x7D  }
0x23: {  	[spmem:s3] =	stream.indirect.scatter.add.f32 [tilespmem:s11], [sflag:$0x1], $0x1, s19, s12, $0xb8;
	[tilespmem:$0x4300] =	vst v63  }
.Ltmp0:
0x24: {  	_ = 	snop;
	(pc) =	sbr.rel @p1 .LBB2_2-.Ltmp0, $4  }
0x25: {  	p0 =	slt.u32 s20, $0x8  }
0x26: {  	s20 =	simm.s32 @!p0 $0x1  }
0x27: {  	_ =	swait.ge @!p0 [sflag:s20], $0x50  }
0x28: {  	[sflag:s20] =	ssyncset.done @!p0 $0x0  }
0x29: {  	[sflag:s20] =	ssyncadd.s32 @!p0 $0xFFFFFFB0  }
0x2a: {  	_ =	swait.ge [sflag:s13], $0x50  }
0x2b: {  	[sflag:s13] =	ssyncset.done $0x0  }
0x2c: {  	[sflag:s13] =	ssyncadd.s32 $0xFFFFFFB0  }
0x2d: {  	_ =	swait.ge [sflag:s13], $0x50  }
0x2e: {  	[sflag:s13] =	ssyncset.done $0x0  }
0x2f: {  	[sflag:s13] =	ssyncadd.s32 $0xFFFFFFB0  }
0x30: {  	_ =	swait.ge [sflag:s13], $0x50  }
0x31: {  	[sflag:s13] =	ssyncset.done $0x0  }
0x32: {  	[sflag:s13] =	ssyncadd.s32 $0xFFFFFFB0  }
0x33: {  	_ =	swait.ge [sflag:s13], $0x50  }
0x34: {  	[sflag:s13] =	ssyncset.done $0x0  }
0x35: {  	[sflag:s13] =	ssyncadd.s32 $0xFFFFFFB0  }
0x36: {  	_ =	swait.ge [sflag:s13], $0x50  }
0x37: {  	[sflag:s13] =	ssyncset.done $0x0  }
0x38: {  	[sflag:s13] =	ssyncadd.s32 $0xFFFFFFB0  }
0x39: {  	_ =	swait.ge [sflag:s13], $0x50  }
0x3a: {  	[sflag:s13] =	ssyncset.done $0x0  }
0x3b: {  	[sflag:s13] =	ssyncadd.s32 $0xFFFFFFB0  }
0x3c: {  	_ =	swait.ge [sflag:s13], $0x50  }
0x3d: {  	[sflag:s13] =	ssyncset.done $0x0  }
0x3e: {  	[sflag:s13] =	ssyncadd.s32 $0xFFFFFFB0  }
0x3f: {  	_ =	swait.ge [sflag:s13], $0x50  }
0x40: {  	s17 =	sadd.s32 $0x1, s17;
	[sflag:s13] =	ssyncset.done $0x0  }
0x41: {  	p0 =	sne.s32 s17, s8;
	[sflag:s13] =	ssyncadd.s32 $0xFFFFFFB0  }
.Ltmp1:
0x42: {  	[bflag:$0x0] =	sbarrier.arrive $0xFFFF;
	(pc) =	sbr.rel @p0 .LBB2_1-.Ltmp1, $4  }
0x43: {  	[hbm:s14@s15], [sflag:s6] =	dma.strided [spmem:s9@s16], $0x50, s13, $0x10   }
0x44: {  	_ =	swait.ge [sflag:s10], $0x50  }
0x45: {  	[sflag:s10] =	ssyncset.done $0x0  }
0x46: {  	[sflag:s10] =	ssyncadd.s32 $0xFFFFFFB0  }
0x47: {  	_ =	sfence.sel $0x180000  }
0x48: {  	[bflag:$0x0] =	sbarrier.arrive $0xFFFF  }
0x49: {  	p0 =	sne.s32 s2, $0x0;
	_ =	strace $0x90000047  }
0x4a: {  	s0 =	sadd.s32 @!p0 $0x100000, s0;
	[bflag:$0x2] =	sbarrier.arrive $0xFFFF  }
0x4b: {  	[sflag:s0] =	ssyncadd.tile.s32 @!p0 $0x1;
	_ =	shalt  }
.Lfunc_end2:
_tile_overlayer_lowered:
.L_overlay_start_2:
0x4c: {  	(tag) =	ssettag $0x2  }
0x4d: {  	s0 =	rddreg [dreg:$0x0];
	s2 =	stileid.u32  }
0x4e: {  	s1 =	rddreg [dreg:$0x1];
	p0 =	sne.s32 s2, $0x0  }
0x4f: {  	s3 =	rddreg [dreg:$0x2];
	[bflag:$0x3] =	sbarrier.arrive $0xFFFF;
	s2 =	simm.s32 @!p0 $0x1C02  }
0x50: {  	[timem:s3], [sflag:s2] =	dma.local @!p0 [hbm:s0], s1  }
0x51: {  	s0 =	simm.s32 @!p0 $0x2  }
0x52: {  	_ =	swait.ge @!p0 [sflag:s0], s1  }
0x53: {  	s1 =	ssub.s32 @!p0 $0x0, s1;
	[sflag:s0] =	ssyncset.done @!p0 $0x0  }
0x54: {  	[sflag:s0] =	ssyncadd.s32 @!p0 s1  }
0x55: {  	[bflag:$0x3] =	sbarrier.arrive $0xFFFF  }
0x56: {  	_ =	shalt  }

</sc_bundles>
